<compile_context>
chip_gen: v7x
topology: tpu7x:2x2x1
jax: 0.10.2.dev20260603
libtpu: 0.0.44.dev20260713+nightly
codegen_flags: <defaults>
</compile_context>

<pallas_src>
import functools

import jax
import jax.numpy as jnp
from jax import lax
from jax.experimental import pallas as pl
from jax.experimental.pallas import tpu as pltpu
from jax.experimental.pallas import tpu_sc as plsc

NC = 2
NS = 16
L = 16
CHUNK = 64




def _sc_body(ns_hbm, lidx_hbm, ridx_hbm, rs_hbm, lc_hbm, w_hbm, zeros_hbm,
             partial_hbm,
             acc, lidx0, ridx0, rs0, rows_l0, rows_r0,
             lidx1, ridx1, rs1, rows_l1, rows_r1, cutbuf, lc_v, w_v,
             sem_l0, sem_r0, sem_l1, sem_r1, sem_i0, sem_i1,
             *, n_pad, d_feat, edges_per_tile, zrows):
    cid = lax.axis_index("c")
    sid = lax.axis_index("s")
    wid = cid * NS + sid
    fgroups = d_feat // L
    rows_per_tile = n_pad // NS
    n_chunks = edges_per_tile // CHUNK
    last = n_chunks - 1

    pltpu.sync_copy(lc_hbm, lc_v)
    pltpu.sync_copy(w_hbm, w_v)
    zero16 = jnp.zeros((L,), jnp.int32)

    row0 = sid * rows_per_tile
    pltpu.sync_copy(zeros_hbm, acc.at[pl.ds(row0, rows_per_tile)])
    plsc.subcore_barrier()

    tbase = wid * edges_per_tile
    bufs = ((lidx0, ridx0, rs0, rows_l0, rows_r0, sem_l0, sem_r0, sem_i0),
            (lidx1, ridx1, rs1, rows_l1, rows_r1, sem_l1, sem_r1, sem_i1))

    def issue(c, b):
        lidx_v, ridx_v, rsbuf, rows_l, rows_r, sem_l, sem_r, sem_i = bufs[b]
        base = tbase + c * CHUNK
        c1 = pltpu.async_copy(lidx_hbm.at[pl.ds(base, CHUNK)], lidx_v, sem_i)
        c2 = pltpu.async_copy(ridx_hbm.at[pl.ds(base, CHUNK)], ridx_v, sem_i)
        c3 = pltpu.async_copy(rs_hbm.at[pl.ds(base, CHUNK)], rsbuf, sem_i)
        c1.wait()
        c2.wait()
        c3.wait()
        cp_l = pltpu.async_copy(ns_hbm.at[lidx_v], rows_l, sem_l)
        cp_r = pltpu.async_copy(ns_hbm.at[ridx_v], rows_r, sem_r)
        return cp_l, cp_r

    def consume(b, lc_splat, w_splat):
        lidx_v, ridx_v, rsbuf, rows_l, rows_r, sem_l, sem_r, sem_i = bufs[b]
        pltpu.make_async_copy(ns_hbm.at[lidx_v], rows_l, sem_l).wait()
        pltpu.make_async_copy(ns_hbm.at[ridx_v], rows_r, sem_r).wait()
        for g in range(CHUNK // L):
            sl = pl.ds(g * L, L)
            x = rsbuf[sl] - lc_splat
            u = x * w_splat
            neg = x < 0.0
            safe = jnp.where(neg, u, 1.0)
            cutbuf[pl.ds(g * L, L)] = jnp.where(neg, jnp.exp(-1.0 / safe), 0.0)

        def edge_body(i2, _):
            for j in range(2):
                i = i2 * 2 + j
                csplat = plsc.load_gather(cutbuf, [zero16 + i])
                for f in range(fgroups):
                    sl = pl.ds(f * L, L)
                    rows_l[i, sl] = (rows_l[i, sl] + rows_r[i, sl]) * csplat
            return 0
        lax.fori_loop(0, CHUNK // 2, edge_body, 0)
        pltpu.sync_copy(rows_l, acc.at[lidx_v], add=True)
        pltpu.sync_copy(rows_l, acc.at[ridx_v], add=True)

    def outer(k, carry):
        lc_splat, w_splat = carry
        c0 = k * 2
        issue(jnp.minimum(c0 + 1, last), 1)
        consume(0, lc_splat, w_splat)
        issue(jnp.minimum(c0 + 2, last), 0)
        consume(1, lc_splat, w_splat)
        return carry

    issue(0, 0)
    lax.fori_loop(0, n_chunks // 2, outer, (lc_v[...], w_v[...]))
    pltpu.make_async_copy(ns_hbm.at[lidx0], rows_l0, sem_l0).wait()
    pltpu.make_async_copy(ns_hbm.at[ridx0], rows_r0, sem_r0).wait()
    plsc.subcore_barrier()

    pltpu.sync_copy(acc.at[pl.ds(row0, rows_per_tile)],
                    partial_hbm.at[pl.ds(cid * n_pad + row0, rows_per_tile)])


def _combine_body(a_ref, b_ref, o_ref):
    o_ref[...] = a_ref[...] + b_ref[...]


@functools.partial(jax.jit, static_argnames=())
def _twobody_impl(ns, l_p, r_p, rs_p, lc16, w16):
    n_nodes, d_feat = ns.shape
    e_pad = l_p.shape[0]
    edges_per_tile = e_pad // (NC * NS)
    n_pad = ((n_nodes + 8 * NS - 1) // (8 * NS)) * (8 * NS)
    zrows = 128

    mesh = plsc.VectorSubcoreMesh(core_axis_name="c", subcore_axis_name="s")
    body = functools.partial(_sc_body, n_pad=n_pad, d_feat=d_feat,
                             edges_per_tile=edges_per_tile, zrows=zrows)
    sc_call = pl.kernel(
        body,
        out_type=jax.ShapeDtypeStruct((NC * n_pad, d_feat), jnp.float32),
        mesh=mesh,
        compiler_params=pltpu.CompilerParams(needs_layout_passes=False),
        scratch_types=[
            pltpu.VMEM_SHARED((n_pad, d_feat), jnp.float32),
            pltpu.VMEM((CHUNK,), jnp.int32),
            pltpu.VMEM((CHUNK,), jnp.int32),
            pltpu.VMEM((CHUNK,), jnp.float32),
            pltpu.VMEM((CHUNK, d_feat), jnp.float32),
            pltpu.VMEM((CHUNK, d_feat), jnp.float32),
            pltpu.VMEM((CHUNK,), jnp.int32),
            pltpu.VMEM((CHUNK,), jnp.int32),
            pltpu.VMEM((CHUNK,), jnp.float32),
            pltpu.VMEM((CHUNK, d_feat), jnp.float32),
            pltpu.VMEM((CHUNK, d_feat), jnp.float32),
            pltpu.VMEM((CHUNK,), jnp.float32),
            pltpu.VMEM((L,), jnp.float32),
            pltpu.VMEM((L,), jnp.float32),
            pltpu.SemaphoreType.DMA,
            pltpu.SemaphoreType.DMA,
            pltpu.SemaphoreType.DMA,
            pltpu.SemaphoreType.DMA,
            pltpu.SemaphoreType.DMA,
            pltpu.SemaphoreType.DMA,
        ],
    )
    zeros_src = jnp.zeros((n_pad // NS, d_feat), jnp.float32)
    partial = sc_call(ns, l_p, r_p, rs_p, lc16, w16, zeros_src)

    rows_blk = 2000
    n_blocks = n_nodes // rows_blk
    combine = pl.pallas_call(
        _combine_body,
        grid=(n_blocks,),
        in_specs=[
            pl.BlockSpec((rows_blk, d_feat), lambda i: (i, 0)),
            pl.BlockSpec((rows_blk, d_feat), lambda i: (i, 0)),
        ],
        out_specs=pl.BlockSpec((rows_blk, d_feat), lambda i: (i, 0)),
        out_shape=jax.ShapeDtypeStruct((n_nodes, d_feat), jnp.float32),
    )
    return combine(partial[:n_nodes], partial[n_pad:n_pad + n_nodes])


def kernel(nq, ns, nv, nt, left_indices, right_indices, rs_input, q_coeff,
           lc_coeff, lcuts_W):
    n_nodes = ns.shape[0]
    e = left_indices.shape[0]
    tile_chunk = NC * NS * CHUNK * 2
    e_pad = ((e + tile_chunk - 1) // tile_chunk) * tile_chunk
    pad = e_pad - e
    pad_idx = jnp.arange(pad, dtype=jnp.int32) % n_nodes
    l_p = jnp.concatenate([left_indices.astype(jnp.int32), pad_idx])
    r_p = jnp.concatenate([right_indices.astype(jnp.int32), pad_idx])
    rs_p = jnp.concatenate([rs_input[:, 0],
                            jnp.full((pad,), jnp.inf, jnp.float32)])
    lc16 = jnp.broadcast_to(lc_coeff.reshape(()), (L,)).astype(jnp.float32)
    w16 = jnp.broadcast_to(lcuts_W.reshape(()), (L,)).astype(jnp.float32)
    return _twobody_impl(ns, l_p, r_p, rs_p, lc16, w16)

# --- scband reference (transcript-rebuilt; emitter-appended) ---
"""Pipeline reference for scband-twobody2-82884278878533 (READ-ONLY COPY).

The authoritative reference and input builder live on the scoring server;
editing this copy changes nothing except your own understanding.
"""

import jax, jax.numpy as jnp
import numpy as np

N_NODES = 10000
N_EDGES = 320000
D_FEAT = 128


def setup_inputs(seed: int = 0) -> dict:
    key = jax.random.key(seed)
    ks = [jax.random.fold_in(key, i) for i in range(8)]
    nq = jax.random.uniform(ks[0], (N_NODES, 1), dtype=jnp.float32)
    ns = jax.random.normal(ks[1], (N_NODES, D_FEAT), dtype=jnp.float32)
    nv = jax.random.normal(ks[2], (N_NODES, D_FEAT), dtype=jnp.float32)
    nt = jax.random.normal(ks[3], (N_NODES, D_FEAT), dtype=jnp.float32)
    left_indices = jax.random.randint(ks[4], (N_EDGES,), 0, N_NODES, dtype=jnp.int64 if jax.config.jax_enable_x64 else jnp.int32)
    right_indices = jax.random.randint(ks[5], (N_EDGES,), 0, N_NODES, dtype=jnp.int64 if jax.config.jax_enable_x64 else jnp.int32)
    rs_input = jax.random.uniform(ks[6], (N_EDGES, 1), dtype=jnp.float32)
    # learned parameter / buffers per module __init__ (+ reset_parameters intent)
    q_coeff = jnp.array([14.3996], dtype=jnp.float32)
    lc_coeff = jnp.array([[15.0]], dtype=jnp.float32)  # cutoff buffer
    lcuts_W = jnp.array([[-1.0]], dtype=jnp.float32)   # Linear(1,1,bias=False), Init.constant_(-1.0)
    return {"nq": nq, "ns": ns, "nv": nv, "nt": nt,
            "left_indices": left_indices, "right_indices": right_indices,
            "rs_input": rs_input, "q_coeff": q_coeff,
            "lc_coeff": lc_coeff, "lcuts_W": lcuts_W}


def _invnegexp_cutoff(x, lcuts_W):
    # cutoff_function(rs - rc, lcuts): u = lcuts(x) = W*x (W=-1 -> u = rc - r > 0 inside cutoff)
    # invnegexp: exp(-1/u) for x < 0 (inside cutoff), 0 outside -> smooth decay to 0 at r = rc
    u = x @ lcuts_W.T
    safe_u = jnp.where(x < 0, u, 1.0)
    return jnp.where(x < 0, jnp.exp(-1.0 / safe_u), 0.0)


def reference(nq, ns, nv, nt, left_indices, right_indices, rs_input, q_coeff, lc_coeff, lcuts_W):
    ns_l = ns[left_indices]
    ns_r = ns[right_indices]
    edge_out = ns_l + ns_r
    edge_cutoff = _invnegexp_cutoff(rs_input - lc_coeff, lcuts_W)
    edge_out = edge_out * edge_cutoff
    zeros = jnp.zeros_like(ns)
    node_out = zeros.at[left_indices].add(edge_out) + zeros.at[right_indices].add(edge_out)
    return node_out


if False:  # reference __main__ guard neutralized (emitter)
    out = reference(**setup_inputs())
    print(out.shape, out.dtype)

if __name__ == "__main__":
    import jax
    _d = setup_inputs()
    print(jax.jit(kernel)(*tuple(_d.values())))

</pallas_src>

<mosaic_0001>
#map = affine_map<(d0, d1) -> (0, 0)>
#map1 = affine_map<(d0, d1) -> (0)>
module attributes {stable_mosaic.version = 14 : i64} {
  func.func @_sc_body(%arg0: i32, %arg1: i32, %arg2: memref<10000x128xf32, #tpu.memory_space<hbm>>, %arg3: memref<323584xi32, #tpu.memory_space<hbm>>, %arg4: memref<323584xi32, #tpu.memory_space<hbm>>, %arg5: memref<323584xf32, #tpu.memory_space<hbm>>, %arg6: memref<16xf32, #tpu.memory_space<hbm>>, %arg7: memref<16xf32, #tpu.memory_space<hbm>>, %arg8: memref<632x128xf32, #tpu.memory_space<hbm>>, %arg9: memref<20224x128xf32, #tpu.memory_space<hbm>>, %arg10: memref<10112x128xf32, #tpu.memory_space<vmem_shared>>, %arg11: memref<64xi32, #tpu.memory_space<vmem>>, %arg12: memref<64xi32, #tpu.memory_space<vmem>>, %arg13: memref<64xf32, #tpu.memory_space<vmem>>, %arg14: memref<64x128xf32, #tpu.memory_space<vmem>>, %arg15: memref<64x128xf32, #tpu.memory_space<vmem>>, %arg16: memref<64xi32, #tpu.memory_space<vmem>>, %arg17: memref<64xi32, #tpu.memory_space<vmem>>, %arg18: memref<64xf32, #tpu.memory_space<vmem>>, %arg19: memref<64x128xf32, #tpu.memory_space<vmem>>, %arg20: memref<64x128xf32, #tpu.memory_space<vmem>>, %arg21: memref<64xf32, #tpu.memory_space<vmem>>, %arg22: memref<16xf32, #tpu.memory_space<vmem>>, %arg23: memref<16xf32, #tpu.memory_space<vmem>>, %arg24: memref<!tpu.dma_semaphore, #tpu.memory_space<semaphore_mem>>, %arg25: memref<!tpu.dma_semaphore, #tpu.memory_space<semaphore_mem>>, %arg26: memref<!tpu.dma_semaphore, #tpu.memory_space<semaphore_mem>>, %arg27: memref<!tpu.dma_semaphore, #tpu.memory_space<semaphore_mem>>, %arg28: memref<!tpu.dma_semaphore, #tpu.memory_space<semaphore_mem>>, %arg29: memref<!tpu.dma_semaphore, #tpu.memory_space<semaphore_mem>>) attributes {dimension_semantics = [#tpu.dimension_semantics<core_parallel>, #tpu.dimension_semantics<subcore_parallel>], iteration_bounds = array<i64: 2, 16>, scalar_prefetch = 0 : i64, scratch_operands = 20 : i64, tpu.core_type = #tpu.core_type<sc_vector_subcore>, window_params = [{transform_indices = #map}, {transform_indices = #map1}, {transform_indices = #map1}, {transform_indices = #map1}, {transform_indices = #map1}, {transform_indices = #map1}, {transform_indices = #map}, {transform_indices = #map}]} {
    %mul3A = arith.constant 16 : i32
    %mul3A_0 = arith.muli %arg0, %mul3A : i32
    %add3A = arith.addi %mul3A_0, %arg1 : i32
    "tpu.region"() ({
      %run_scoped3A = tpu.sem_alloc : memref<!tpu.dma_semaphore, #tpu.memory_space<semaphore_mem>>
      tpu.enqueue_dma source(%arg6 : memref<16xf32, #tpu.memory_space<hbm>>) target(%arg22 : memref<16xf32, #tpu.memory_space<vmem>>) target_semaphore(%run_scoped3A : memref<!tpu.dma_semaphore, #tpu.memory_space<semaphore_mem>>)
      tpu.wait_dma2 semaphore(%run_scoped3A : memref<!tpu.dma_semaphore, #tpu.memory_space<semaphore_mem>>) src(%arg6 : memref<16xf32, #tpu.memory_space<hbm>>) dst(%arg22 : memref<16xf32, #tpu.memory_space<vmem>>)
      tpu.yield
    }) : () -> ()
    "tpu.region"() ({
      %run_scoped3A = tpu.sem_alloc : memref<!tpu.dma_semaphore, #tpu.memory_space<semaphore_mem>>
      tpu.enqueue_dma source(%arg7 : memref<16xf32, #tpu.memory_space<hbm>>) target(%arg23 : memref<16xf32, #tpu.memory_space<vmem>>) target_semaphore(%run_scoped3A : memref<!tpu.dma_semaphore, #tpu.memory_space<semaphore_mem>>)
      tpu.wait_dma2 semaphore(%run_scoped3A : memref<!tpu.dma_semaphore, #tpu.memory_space<semaphore_mem>>) src(%arg7 : memref<16xf32, #tpu.memory_space<hbm>>) dst(%arg23 : memref<16xf32, #tpu.memory_space<vmem>>)
      tpu.yield
    }) : () -> ()
    %broadcast_in_dim3A = arith.constant 0 : i32
    %broadcast_in_dim3A_1 = vector.broadcast %broadcast_in_dim3A : i32 to vector<16xi32>
    %mul3A_2 = arith.constant 632 : i32
    %mul3A_3 = arith.muli %arg1, %mul3A_2 : i32
    "tpu.region"() ({
      %run_scoped3A = tpu.sem_alloc : memref<!tpu.dma_semaphore, #tpu.memory_space<semaphore_mem>>
      %dma_start3A_41 = arith.constant 0 : i32
      %dma_start3A_42 = tpu.memref_slice %arg10[%mul3A_3, %dma_start3A_41] : memref<10112x128xf32, #tpu.memory_space<vmem_shared>> -> memref<632x128xf32, #tpu.memory_space<vmem_shared>>
      tpu.enqueue_dma source(%arg8 : memref<632x128xf32, #tpu.memory_space<hbm>>) target(%dma_start3A_42 : memref<632x128xf32, #tpu.memory_space<vmem_shared>>) target_semaphore(%run_scoped3A : memref<!tpu.dma_semaphore, #tpu.memory_space<semaphore_mem>>)
      %dma_wait3A_43 = arith.constant 0 : i32
      %dma_wait3A_44 = tpu.memref_slice %arg10[%mul3A_3, %dma_wait3A_43] : memref<10112x128xf32, #tpu.memory_space<vmem_shared>> -> memref<632x128xf32, #tpu.memory_space<vmem_shared>>
      tpu.wait_dma2 semaphore(%run_scoped3A : memref<!tpu.dma_semaphore, #tpu.memory_space<semaphore_mem>>) src(%arg8 : memref<632x128xf32, #tpu.memory_space<hbm>>) dst(%dma_wait3A_44 : memref<632x128xf32, #tpu.memory_space<vmem_shared>>)
      tpu.yield
    }) : () -> ()
    %barrier3A = arith.constant 0 : index
    tpu.barrier barrier_id(%barrier3A)
    %mul3A_4 = arith.constant 10112 : i32
    %mul3A_5 = arith.muli %add3A, %mul3A_4 : i32
    %add3A_6 = arith.constant 0 : i32
    %add3A_7 = arith.addi %mul3A_5, %add3A_6 : i32
    %dma_start3A = tpu.memref_slice %arg3[%add3A_7] : memref<323584xi32, #tpu.memory_space<hbm>> -> memref<64xi32, #tpu.memory_space<hbm>>
    %dma_start3A_8 = tpu.memref_slice %arg3[%add3A_7] : memref<323584xi32, #tpu.memory_space<hbm>> -> memref<64xi32, #tpu.memory_space<hbm>>
    tpu.enqueue_dma source(%dma_start3A_8 : memref<64xi32, #tpu.memory_space<hbm>>) target(%arg11 : memref<64xi32, #tpu.memory_space<vmem>>) target_semaphore(%arg28 : memref<!tpu.dma_semaphore, #tpu.memory_space<semaphore_mem>>)
    %dma_start3A_9 = tpu.memref_slice %arg4[%add3A_7] : memref<323584xi32, #tpu.memory_space<hbm>> -> memref<64xi32, #tpu.memory_space<hbm>>
    %dma_start3A_10 = tpu.memref_slice %arg4[%add3A_7] : memref<323584xi32, #tpu.memory_space<hbm>> -> memref<64xi32, #tpu.memory_space<hbm>>
    tpu.enqueue_dma source(%dma_start3A_10 : memref<64xi32, #tpu.memory_space<hbm>>) target(%arg12 : memref<64xi32, #tpu.memory_space<vmem>>) target_semaphore(%arg28 : memref<!tpu.dma_semaphore, #tpu.memory_space<semaphore_mem>>)
    %dma_start3A_11 = tpu.memref_slice %arg5[%add3A_7] : memref<323584xf32, #tpu.memory_space<hbm>> -> memref<64xf32, #tpu.memory_space<hbm>>
    %dma_start3A_12 = tpu.memref_slice %arg5[%add3A_7] : memref<323584xf32, #tpu.memory_space<hbm>> -> memref<64xf32, #tpu.memory_space<hbm>>
    tpu.enqueue_dma source(%dma_start3A_12 : memref<64xf32, #tpu.memory_space<hbm>>) target(%arg13 : memref<64xf32, #tpu.memory_space<vmem>>) target_semaphore(%arg28 : memref<!tpu.dma_semaphore, #tpu.memory_space<semaphore_mem>>)
    %dma_wait3A = tpu.memref_slice %arg3[%add3A_7] : memref<323584xi32, #tpu.memory_space<hbm>> -> memref<64xi32, #tpu.memory_space<hbm>>
    %dma_wait3A_13 = tpu.memref_slice %arg3[%add3A_7] : memref<323584xi32, #tpu.memory_space<hbm>> -> memref<64xi32, #tpu.memory_space<hbm>>
    tpu.wait_dma2 semaphore(%arg28 : memref<!tpu.dma_semaphore, #tpu.memory_space<semaphore_mem>>) src(%dma_wait3A_13 : memref<64xi32, #tpu.memory_space<hbm>>) dst(%arg11 : memref<64xi32, #tpu.memory_space<vmem>>)
    %dma_wait3A_14 = tpu.memref_slice %arg4[%add3A_7] : memref<323584xi32, #tpu.memory_space<hbm>> -> memref<64xi32, #tpu.memory_space<hbm>>
    %dma_wait3A_15 = tpu.memref_slice %arg4[%add3A_7] : memref<323584xi32, #tpu.memory_space<hbm>> -> memref<64xi32, #tpu.memory_space<hbm>>
    tpu.wait_dma2 semaphore(%arg28 : memref<!tpu.dma_semaphore, #tpu.memory_space<semaphore_mem>>) src(%dma_wait3A_15 : memref<64xi32, #tpu.memory_space<hbm>>) dst(%arg12 : memref<64xi32, #tpu.memory_space<vmem>>)
    %dma_wait3A_16 = tpu.memref_slice %arg5[%add3A_7] : memref<323584xf32, #tpu.memory_space<hbm>> -> memref<64xf32, #tpu.memory_space<hbm>>
    %dma_wait3A_17 = tpu.memref_slice %arg5[%add3A_7] : memref<323584xf32, #tpu.memory_space<hbm>> -> memref<64xf32, #tpu.memory_space<hbm>>
    tpu.wait_dma2 semaphore(%arg28 : memref<!tpu.dma_semaphore, #tpu.memory_space<semaphore_mem>>) src(%dma_wait3A_17 : memref<64xf32, #tpu.memory_space<hbm>>) dst(%arg13 : memref<64xf32, #tpu.memory_space<vmem>>)
    %dma_start3A_18 = arith.constant 0 : i32
    %dma_start3A_19 = arith.constant 0 : i32
    %dma_start3A_20 = tpu.memref_slice %arg2[%dma_start3A_18, %dma_start3A_19] : memref<10000x128xf32, #tpu.memory_space<hbm>> -> memref<10000x128xf32, #tpu.memory_space<hbm>>
    tpu.enqueue_indirect_dma source(%dma_start3A_20 : memref<10000x128xf32, #tpu.memory_space<hbm>>) target(%arg14 : memref<64x128xf32, #tpu.memory_space<vmem>>) offsets(%arg11 : memref<64xi32, #tpu.memory_space<vmem>>) semaphore(%arg24 : memref<!tpu.dma_semaphore, #tpu.memory_space<semaphore_mem>>)
    %dma_start3A_21 = arith.constant 0 : i32
    %dma_start3A_22 = arith.constant 0 : i32
    %dma_start3A_23 = tpu.memref_slice %arg2[%dma_start3A_21, %dma_start3A_22] : memref<10000x128xf32, #tpu.memory_space<hbm>> -> memref<10000x128xf32, #tpu.memory_space<hbm>>
    tpu.enqueue_indirect_dma source(%dma_start3A_23 : memref<10000x128xf32, #tpu.memory_space<hbm>>) target(%arg15 : memref<64x128xf32, #tpu.memory_space<vmem>>) offsets(%arg12 : memref<64xi32, #tpu.memory_space<vmem>>) semaphore(%arg25 : memref<!tpu.dma_semaphore, #tpu.memory_space<semaphore_mem>>)
    %get3A = arith.constant 0 : index
    %get3A_24 = tpu.vector_load %arg22[%get3A] {strides = array<i32>} : memref<16xf32, #tpu.memory_space<vmem>>, vector<16xf32>,
    %get3A_25 = arith.constant 0 : index
    %get3A_26 = tpu.vector_load %arg23[%get3A_25] {strides = array<i32>} : memref<16xf32, #tpu.memory_space<vmem>>, vector<16xf32>,
    %scan3A = arith.constant 0 : i32
    %scan3A_27 = arith.constant 79 : i32
    %scan3A_28 = arith.addi %scan3A, %scan3A_27 : i32
    %scan3A_29 = arith.constant 1 : i32
    scf.for %scan3A_41 = %scan3A to %scan3A_28 step %scan3A_29  : i32 {
      %mul3A_42 = arith.constant 2 : i32
      %mul3A_43 = arith.muli %scan3A_41, %mul3A_42 : i32
      %add3A_44 = arith.constant 1 : i32
      %add3A_45 = arith.addi %mul3A_43, %add3A_44 : i32
      %min3A = arith.constant 157 : i32
      %min3A_46 = arith.minsi %add3A_45, %min3A : i32
      %mul3A_47 = arith.constant 64 : i32
      %mul3A_48 = arith.muli %min3A_46, %mul3A_47 : i32
      %add3A_49 = arith.addi %mul3A_5, %mul3A_48 : i32
      %dma_start3A_50 = tpu.memref_slice %arg3[%add3A_49] : memref<323584xi32, #tpu.memory_space<hbm>> -> memref<64xi32, #tpu.memory_space<hbm>>
      %dma_start3A_51 = tpu.memref_slice %arg3[%add3A_49] : memref<323584xi32, #tpu.memory_space<hbm>> -> memref<64xi32, #tpu.memory_space<hbm>>
      tpu.enqueue_dma source(%dma_start3A_51 : memref<64xi32, #tpu.memory_space<hbm>>) target(%arg16 : memref<64xi32, #tpu.memory_space<vmem>>) target_semaphore(%arg29 : memref<!tpu.dma_semaphore, #tpu.memory_space<semaphore_mem>>)
      %dma_start3A_52 = tpu.memref_slice %arg4[%add3A_49] : memref<323584xi32, #tpu.memory_space<hbm>> -> memref<64xi32, #tpu.memory_space<hbm>>
      %dma_start3A_53 = tpu.memref_slice %arg4[%add3A_49] : memref<323584xi32, #tpu.memory_space<hbm>> -> memref<64xi32, #tpu.memory_space<hbm>>
      tpu.enqueue_dma source(%dma_start3A_53 : memref<64xi32, #tpu.memory_space<hbm>>) target(%arg17 : memref<64xi32, #tpu.memory_space<vmem>>) target_semaphore(%arg29 : memref<!tpu.dma_semaphore, #tpu.memory_space<semaphore_mem>>)
      %dma_start3A_54 = tpu.memref_slice %arg5[%add3A_49] : memref<323584xf32, #tpu.memory_space<hbm>> -> memref<64xf32, #tpu.memory_space<hbm>>
      %dma_start3A_55 = tpu.memref_slice %arg5[%add3A_49] : memref<323584xf32, #tpu.memory_space<hbm>> -> memref<64xf32, #tpu.memory_space<hbm>>
      tpu.enqueue_dma source(%dma_start3A_55 : memref<64xf32, #tpu.memory_space<hbm>>) target(%arg18 : memref<64xf32, #tpu.memory_space<vmem>>) target_semaphore(%arg29 : memref<!tpu.dma_semaphore, #tpu.memory_space<semaphore_mem>>)
      %dma_wait3A_56 = tpu.memref_slice %arg3[%add3A_49] : memref<323584xi32, #tpu.memory_space<hbm>> -> memref<64xi32, #tpu.memory_space<hbm>>
      %dma_wait3A_57 = tpu.memref_slice %arg3[%add3A_49] : memref<323584xi32, #tpu.memory_space<hbm>> -> memref<64xi32, #tpu.memory_space<hbm>>
      tpu.wait_dma2 semaphore(%arg29 : memref<!tpu.dma_semaphore, #tpu.memory_space<semaphore_mem>>) src(%dma_wait3A_57 : memref<64xi32, #tpu.memory_space<hbm>>) dst(%arg16 : memref<64xi32, #tpu.memory_space<vmem>>)
      %dma_wait3A_58 = tpu.memref_slice %arg4[%add3A_49] : memref<323584xi32, #tpu.memory_space<hbm>> -> memref<64xi32, #tpu.memory_space<hbm>>
      %dma_wait3A_59 = tpu.memref_slice %arg4[%add3A_49] : memref<323584xi32, #tpu.memory_space<hbm>> -> memref<64xi32, #tpu.memory_space<hbm>>
      tpu.wait_dma2 semaphore(%arg29 : memref<!tpu.dma_semaphore, #tpu.memory_space<semaphore_mem>>) src(%dma_wait3A_59 : memref<64xi32, #tpu.memory_space<hbm>>) dst(%arg17 : memref<64xi32, #tpu.memory_space<vmem>>)
      %dma_wait3A_60 = tpu.memref_slice %arg5[%add3A_49] : memref<323584xf32, #tpu.memory_space<hbm>> -> memref<64xf32, #tpu.memory_space<hbm>>
      %dma_wait3A_61 = tpu.memref_slice %arg5[%add3A_49] : memref<323584xf32, #tpu.memory_space<hbm>> -> memref<64xf32, #tpu.memory_space<hbm>>
      tpu.wait_dma2 semaphore(%arg29 : memref<!tpu.dma_semaphore, #tpu.memory_space<semaphore_mem>>) src(%dma_wait3A_61 : memref<64xf32, #tpu.memory_space<hbm>>) dst(%arg18 : memref<64xf32, #tpu.memory_space<vmem>>)
      %dma_start3A_62 = arith.constant 0 : i32
      %dma_start3A_63 = arith.constant 0 : i32
      %dma_start3A_64 = tpu.memref_slice %arg2[%dma_start3A_62, %dma_start3A_63] : memref<10000x128xf32, #tpu.memory_space<hbm>> -> memref<10000x128xf32, #tpu.memory_space<hbm>>
      tpu.enqueue_indirect_dma source(%dma_start3A_64 : memref<10000x128xf32, #tpu.memory_space<hbm>>) target(%arg19 : memref<64x128xf32, #tpu.memory_space<vmem>>) offsets(%arg16 : memref<64xi32, #tpu.memory_space<vmem>>) semaphore(%arg26 : memref<!tpu.dma_semaphore, #tpu.memory_space<semaphore_mem>>)
      %dma_start3A_65 = arith.constant 0 : i32
      %dma_start3A_66 = arith.constant 0 : i32
      %dma_start3A_67 = tpu.memref_slice %arg2[%dma_start3A_65, %dma_start3A_66] : memref<10000x128xf32, #tpu.memory_space<hbm>> -> memref<10000x128xf32, #tpu.memory_space<hbm>>
      tpu.enqueue_indirect_dma source(%dma_start3A_67 : memref<10000x128xf32, #tpu.memory_space<hbm>>) target(%arg20 : memref<64x128xf32, #tpu.memory_space<vmem>>) offsets(%arg17 : memref<64xi32, #tpu.memory_space<vmem>>) semaphore(%arg27 : memref<!tpu.dma_semaphore, #tpu.memory_space<semaphore_mem>>)
      %dma_wait3A_68 = arith.constant 0 : i32
      %dma_wait3A_69 = arith.constant 0 : i32
      %dma_wait3A_70 = tpu.memref_slice %arg2[%dma_wait3A_68, %dma_wait3A_69] : memref<10000x128xf32, #tpu.memory_space<hbm>> -> memref<10000x128xf32, #tpu.memory_space<hbm>>
      tpu.wait_indirect_dma semaphore(%arg24 : memref<!tpu.dma_semaphore, #tpu.memory_space<semaphore_mem>>) src(%dma_wait3A_70 : memref<10000x128xf32, #tpu.memory_space<hbm>>) dst(%arg14 : memref<64x128xf32, #tpu.memory_space<vmem>>)
      %dma_wait3A_71 = arith.constant 0 : i32
      %dma_wait3A_72 = arith.constant 0 : i32
      %dma_wait3A_73 = tpu.memref_slice %arg2[%dma_wait3A_71, %dma_wait3A_72] : memref<10000x128xf32, #tpu.memory_space<hbm>> -> memref<10000x128xf32, #tpu.memory_space<hbm>>
      tpu.wait_indirect_dma semaphore(%arg25 : memref<!tpu.dma_semaphore, #tpu.memory_space<semaphore_mem>>) src(%dma_wait3A_73 : memref<10000x128xf32, #tpu.memory_space<hbm>>) dst(%arg15 : memref<64x128xf32, #tpu.memory_space<vmem>>)
      %get3A_74 = arith.constant 0 : index
      %get3A_75 = tpu.vector_load %arg13[%get3A_74] {strides = array<i32>} : memref<64xf32, #tpu.memory_space<vmem>>, vector<16xf32>,
      %sub3A = arith.subf %get3A_75, %get3A_24 : vector<16xf32>
      %mul3A_76 = arith.mulf %sub3A, %get3A_26 : vector<16xf32>
      %lt3A = arith.constant 0.000000e+00 : f32
      %lt3A_77 = vector.broadcast %lt3A : f32 to vector<16xf32>
      %lt3A_78 = arith.cmpf olt, %sub3A, %lt3A_77 : vector<16xf32>
      %jit3A = arith.constant 1.000000e+00 : f32
      %broadcast_in_dim3A_79 = vector.broadcast %jit3A : f32 to vector<16xf32>
      %select_n3A = arith.select %lt3A_78, %mul3A_76, %broadcast_in_dim3A_79 : vector<16xi1>, vector<16xf32>
      %div3A = arith.constant -1.000000e+00 : f32
      %div3A_80 = vector.broadcast %div3A : f32 to vector<16xf32>
      %div3A_81 = arith.divf %div3A_80, %select_n3A : vector<16xf32>
      %exp3A = math.exp %div3A_81 : vector<16xf32>
      %jit3A_82 = arith.constant 0.000000e+00 : f32
      %broadcast_in_dim3A_83 = vector.broadcast %jit3A_82 : f32 to vector<16xf32>
      %select_n3A_84 = arith.select %lt3A_78, %exp3A, %broadcast_in_dim3A_83 : vector<16xi1>, vector<16xf32>
      %swap3A = arith.constant 0 : index
      %swap3A_85 = tpu.vector_load %arg21[%swap3A] {strides = array<i32>} : memref<64xf32, #tpu.memory_space<vmem>>, vector<16xf32>,
      tpu.vector_store %arg21[%swap3A], %select_n3A_84 {strides = array<i32>} : memref<64xf32, #tpu.memory_space<vmem>>, vector<16xf32>,
      %get3A_86 = arith.constant 16 : index
      %get3A_87 = tpu.vector_load %arg13[%get3A_86] {strides = array<i32>} : memref<64xf32, #tpu.memory_space<vmem>>, vector<16xf32>,
      %sub3A_88 = arith.subf %get3A_87, %get3A_24 : vector<16xf32>
      %mul3A_89 = arith.mulf %sub3A_88, %get3A_26 : vector<16xf32>
      %lt3A_90 = arith.constant 0.000000e+00 : f32
      %lt3A_91 = vector.broadcast %lt3A_90 : f32 to vector<16xf32>
      %lt3A_92 = arith.cmpf olt, %sub3A_88, %lt3A_91 : vector<16xf32>
      %jit3A_93 = arith.constant 1.000000e+00 : f32
      %broadcast_in_dim3A_94 = vector.broadcast %jit3A_93 : f32 to vector<16xf32>
      %select_n3A_95 = arith.select %lt3A_92, %mul3A_89, %broadcast_in_dim3A_94 : vector<16xi1>, vector<16xf32>
      %div3A_96 = arith.constant -1.000000e+00 : f32
      %div3A_97 = vector.broadcast %div3A_96 : f32 to vector<16xf32>
      %div3A_98 = arith.divf %div3A_97, %select_n3A_95 : vector<16xf32>
      %exp3A_99 = math.exp %div3A_98 : vector<16xf32>
      %jit3A_100 = arith.constant 0.000000e+00 : f32
      %broadcast_in_dim3A_101 = vector.broadcast %jit3A_100 : f32 to vector<16xf32>
      %select_n3A_102 = arith.select %lt3A_92, %exp3A_99, %broadcast_in_dim3A_101 : vector<16xi1>, vector<16xf32>
      %swap3A_103 = arith.constant 16 : index
      %swap3A_104 = tpu.vector_load %arg21[%swap3A_103] {strides = array<i32>} : memref<64xf32, #tpu.memory_space<vmem>>, vector<16xf32>,
      tpu.vector_store %arg21[%swap3A_103], %select_n3A_102 {strides = array<i32>} : memref<64xf32, #tpu.memory_space<vmem>>, vector<16xf32>,
      %get3A_105 = arith.constant 32 : index
      %get3A_106 = tpu.vector_load %arg13[%get3A_105] {strides = array<i32>} : memref<64xf32, #tpu.memory_space<vmem>>, vector<16xf32>,
      %sub3A_107 = arith.subf %get3A_106, %get3A_24 : vector<16xf32>
      %mul3A_108 = arith.mulf %sub3A_107, %get3A_26 : vector<16xf32>
      %lt3A_109 = arith.constant 0.000000e+00 : f32
      %lt3A_110 = vector.broadcast %lt3A_109 : f32 to vector<16xf32>
      %lt3A_111 = arith.cmpf olt, %sub3A_107, %lt3A_110 : vector<16xf32>
      %jit3A_112 = arith.constant 1.000000e+00 : f32
      %broadcast_in_dim3A_113 = vector.broadcast %jit3A_112 : f32 to vector<16xf32>
      %select_n3A_114 = arith.select %lt3A_111, %mul3A_108, %broadcast_in_dim3A_113 : vector<16xi1>, vector<16xf32>
      %div3A_115 = arith.constant -1.000000e+00 : f32
      %div3A_116 = vector.broadcast %div3A_115 : f32 to vector<16xf32>
      %div3A_117 = arith.divf %div3A_116, %select_n3A_114 : vector<16xf32>
      %exp3A_118 = math.exp %div3A_117 : vector<16xf32>
      %jit3A_119 = arith.constant 0.000000e+00 : f32
      %broadcast_in_dim3A_120 = vector.broadcast %jit3A_119 : f32 to vector<16xf32>
      %select_n3A_121 = arith.select %lt3A_111, %exp3A_118, %broadcast_in_dim3A_120 : vector<16xi1>, vector<16xf32>
      %swap3A_122 = arith.constant 32 : index
      %swap3A_123 = tpu.vector_load %arg21[%swap3A_122] {strides = array<i32>} : memref<64xf32, #tpu.memory_space<vmem>>, vector<16xf32>,
      tpu.vector_store %arg21[%swap3A_122], %select_n3A_121 {strides = array<i32>} : memref<64xf32, #tpu.memory_space<vmem>>, vector<16xf32>,
      %get3A_124 = arith.constant 48 : index
      %get3A_125 = tpu.vector_load %arg13[%get3A_124] {strides = array<i32>} : memref<64xf32, #tpu.memory_space<vmem>>, vector<16xf32>,
      %sub3A_126 = arith.subf %get3A_125, %get3A_24 : vector<16xf32>
      %mul3A_127 = arith.mulf %sub3A_126, %get3A_26 : vector<16xf32>
      %lt3A_128 = arith.constant 0.000000e+00 : f32
      %lt3A_129 = vector.broadcast %lt3A_128 : f32 to vector<16xf32>
      %lt3A_130 = arith.cmpf olt, %sub3A_126, %lt3A_129 : vector<16xf32>
      %jit3A_131 = arith.constant 1.000000e+00 : f32
      %broadcast_in_dim3A_132 = vector.broadcast %jit3A_131 : f32 to vector<16xf32>
      %select_n3A_133 = arith.select %lt3A_130, %mul3A_127, %broadcast_in_dim3A_132 : vector<16xi1>, vector<16xf32>
      %div3A_134 = arith.constant -1.000000e+00 : f32
      %div3A_135 = vector.broadcast %div3A_134 : f32 to vector<16xf32>
      %div3A_136 = arith.divf %div3A_135, %select_n3A_133 : vector<16xf32>
      %exp3A_137 = math.exp %div3A_136 : vector<16xf32>
      %jit3A_138 = arith.constant 0.000000e+00 : f32
      %broadcast_in_dim3A_139 = vector.broadcast %jit3A_138 : f32 to vector<16xf32>
      %select_n3A_140 = arith.select %lt3A_130, %exp3A_137, %broadcast_in_dim3A_139 : vector<16xi1>, vector<16xf32>
      %swap3A_141 = arith.constant 48 : index
      %swap3A_142 = tpu.vector_load %arg21[%swap3A_141] {strides = array<i32>} : memref<64xf32, #tpu.memory_space<vmem>>, vector<16xf32>,
      tpu.vector_store %arg21[%swap3A_141], %select_n3A_140 {strides = array<i32>} : memref<64xf32, #tpu.memory_space<vmem>>, vector<16xf32>,
      %scan3A_143 = arith.constant 0 : i32
      %scan3A_144 = arith.constant 0 : i32
      %scan3A_145 = arith.constant 32 : i32
      %scan3A_146 = arith.addi %scan3A_144, %scan3A_145 : i32
      %scan3A_147 = arith.constant 1 : i32
      %scan3A_148 = scf.for %scan3A_264 = %scan3A_144 to %scan3A_146 step %scan3A_147 iter_args(%scan3A_265 = %scan3A_143) -> (i32)  : i32 {
        %mul3A_266 = arith.constant 2 : i32
        %mul3A_267 = arith.muli %scan3A_264, %mul3A_266 : i32
        %add3A_268 = arith.constant 0 : i32
        %add3A_269 = arith.addi %mul3A_267, %add3A_268 : i32
        %add3A_270 = vector.broadcast %add3A_269 : i32 to vector<16xi32>
        %add3A_271 = arith.addi %broadcast_in_dim3A_1, %add3A_270 : vector<16xi32>
        %gather3A = tpu.vector_load_idx %arg21[%add3A_271] : memref<64xf32, #tpu.memory_space<vmem>>[vector<16xi32>], vector<16xf32>,
        %get3A_272 = arith.index_cast %add3A_269 : i32 to index
        %get3A_273 = arith.constant 0 : index
        %get3A_274 = tpu.vector_load %arg14[%get3A_272, %get3A_273] {strides = array<i32>} : memref<64x128xf32, #tpu.memory_space<vmem>>, vector<16xf32>,
        %get3A_275 = arith.index_cast %add3A_269 : i32 to index
        %get3A_276 = arith.constant 0 : index
        %get3A_277 = tpu.vector_load %arg15[%get3A_275, %get3A_276] {strides = array<i32>} : memref<64x128xf32, #tpu.memory_space<vmem>>, vector<16xf32>,
        %add3A_278 = arith.addf %get3A_274, %get3A_277 : vector<16xf32>
        %mul3A_279 = arith.mulf %add3A_278, %gather3A : vector<16xf32>
        %swap3A_280 = arith.index_cast %add3A_269 : i32 to index
        %swap3A_281 = arith.constant 0 : index
        %swap3A_282 = tpu.vector_load %arg14[%swap3A_280, %swap3A_281] {strides = array<i32>} : memref<64x128xf32, #tpu.memory_space<vmem>>, vector<16xf32>,
        tpu.vector_store %arg14[%swap3A_280, %swap3A_281], %mul3A_279 {strides = array<i32>} : memref<64x128xf32, #tpu.memory_space<vmem>>, vector<16xf32>,
        %get3A_283 = arith.index_cast %add3A_269 : i32 to index
        %get3A_284 = arith.constant 16 : index
        %get3A_285 = tpu.vector_load %arg14[%get3A_283, %get3A_284] {strides = array<i32>} : memref<64x128xf32, #tpu.memory_space<vmem>>, vector<16xf32>,
        %get3A_286 = arith.index_cast %add3A_269 : i32 to index
        %get3A_287 = arith.constant 16 : index
        %get3A_288 = tpu.vector_load %arg15[%get3A_286, %get3A_287] {strides = array<i32>} : memref<64x128xf32, #tpu.memory_space<vmem>>, vector<16xf32>,
        %add3A_289 = arith.addf %get3A_285, %get3A_288 : vector<16xf32>
        %mul3A_290 = arith.mulf %add3A_289, %gather3A : vector<16xf32>
        %swap3A_291 = arith.index_cast %add3A_269 : i32 to index
        %swap3A_292 = arith.constant 16 : index
        %swap3A_293 = tpu.vector_load %arg14[%swap3A_291, %swap3A_292] {strides = array<i32>} : memref<64x128xf32, #tpu.memory_space<vmem>>, vector<16xf32>,
        tpu.vector_store %arg14[%swap3A_291, %swap3A_292], %mul3A_290 {strides = array<i32>} : memref<64x128xf32, #tpu.memory_space<vmem>>, vector<16xf32>,
        %get3A_294 = arith.index_cast %add3A_269 : i32 to index
        %get3A_295 = arith.constant 32 : index
        %get3A_296 = tpu.vector_load %arg14[%get3A_294, %get3A_295] {strides = array<i32>} : memref<64x128xf32, #tpu.memory_space<vmem>>, vector<16xf32>,
        %get3A_297 = arith.index_cast %add3A_269 : i32 to index
        %get3A_298 = arith.constant 32 : index
        %get3A_299 = tpu.vector_load %arg15[%get3A_297, %get3A_298] {strides = array<i32>} : memref<64x128xf32, #tpu.memory_space<vmem>>, vector<16xf32>,
        %add3A_300 = arith.addf %get3A_296, %get3A_299 : vector<16xf32>
        %mul3A_301 = arith.mulf %add3A_300, %gather3A : vector<16xf32>
        %swap3A_302 = arith.index_cast %add3A_269 : i32 to index
        %swap3A_303 = arith.constant 32 : index
        %swap3A_304 = tpu.vector_load %arg14[%swap3A_302, %swap3A_303] {strides = array<i32>} : memref<64x128xf32, #tpu.memory_space<vmem>>, vector<16xf32>,
        tpu.vector_store %arg14[%swap3A_302, %swap3A_303], %mul3A_301 {strides = array<i32>} : memref<64x128xf32, #tpu.memory_space<vmem>>, vector<16xf32>,
        %get3A_305 = arith.index_cast %add3A_269 : i32 to index
        %get3A_306 = arith.constant 48 : index
        %get3A_307 = tpu.vector_load %arg14[%get3A_305, %get3A_306] {strides = array<i32>} : memref<64x128xf32, #tpu.memory_space<vmem>>, vector<16xf32>,
        %get3A_308 = arith.index_cast %add3A_269 : i32 to index
        %get3A_309 = arith.constant 48 : index
        %get3A_310 = tpu.vector_load %arg15[%get3A_308, %get3A_309] {strides = array<i32>} : memref<64x128xf32, #tpu.memory_space<vmem>>, vector<16xf32>,
        %add3A_311 = arith.addf %get3A_307, %get3A_310 : vector<16xf32>
        %mul3A_312 = arith.mulf %add3A_311, %gather3A : vector<16xf32>
        %swap3A_313 = arith.index_cast %add3A_269 : i32 to index
        %swap3A_314 = arith.constant 48 : index
        %swap3A_315 = tpu.vector_load %arg14[%swap3A_313, %swap3A_314] {strides = array<i32>} : memref<64x128xf32, #tpu.memory_space<vmem>>, vector<16xf32>,
        tpu.vector_store %arg14[%swap3A_313, %swap3A_314], %mul3A_312 {strides = array<i32>} : memref<64x128xf32, #tpu.memory_space<vmem>>, vector<16xf32>,
        %get3A_316 = arith.index_cast %add3A_269 : i32 to index
        %get3A_317 = arith.constant 64 : index
        %get3A_318 = tpu.vector_load %arg14[%get3A_316, %get3A_317] {strides = array<i32>} : memref<64x128xf32, #tpu.memory_space<vmem>>, vector<16xf32>,
        %get3A_319 = arith.index_cast %add3A_269 : i32 to index
        %get3A_320 = arith.constant 64 : index
        %get3A_321 = tpu.vector_load %arg15[%get3A_319, %get3A_320] {strides = array<i32>} : memref<64x128xf32, #tpu.memory_space<vmem>>, vector<16xf32>,
        %add3A_322 = arith.addf %get3A_318, %get3A_321 : vector<16xf32>
        %mul3A_323 = arith.mulf %add3A_322, %gather3A : vector<16xf32>
        %swap3A_324 = arith.index_cast %add3A_269 : i32 to index
        %swap3A_325 = arith.constant 64 : index
        %swap3A_326 = tpu.vector_load %arg14[%swap3A_324, %swap3A_325] {strides = array<i32>} : memref<64x128xf32, #tpu.memory_space<vmem>>, vector<16xf32>,
        tpu.vector_store %arg14[%swap3A_324, %swap3A_325], %mul3A_323 {strides = array<i32>} : memref<64x128xf32, #tpu.memory_space<vmem>>, vector<16xf32>,
        %get3A_327 = arith.index_cast %add3A_269 : i32 to index
        %get3A_328 = arith.constant 80 : index
        %get3A_329 = tpu.vector_load %arg14[%get3A_327, %get3A_328] {strides = array<i32>} : memref<64x128xf32, #tpu.memory_space<vmem>>, vector<16xf32>,
        %get3A_330 = arith.index_cast %add3A_269 : i32 to index
        %get3A_331 = arith.constant 80 : index
        %get3A_332 = tpu.vector_load %arg15[%get3A_330, %get3A_331] {strides = array<i32>} : memref<64x128xf32, #tpu.memory_space<vmem>>, vector<16xf32>,
        %add3A_333 = arith.addf %get3A_329, %get3A_332 : vector<16xf32>
        %mul3A_334 = arith.mulf %add3A_333, %gather3A : vector<16xf32>
        %swap3A_335 = arith.index_cast %add3A_269 : i32 to index
        %swap3A_336 = arith.constant 80 : index
        %swap3A_337 = tpu.vector_load %arg14[%swap3A_335, %swap3A_336] {strides = array<i32>} : memref<64x128xf32, #tpu.memory_space<vmem>>, vector<16xf32>,
        tpu.vector_store %arg14[%swap3A_335, %swap3A_336], %mul3A_334 {strides = array<i32>} : memref<64x128xf32, #tpu.memory_space<vmem>>, vector<16xf32>,
        %get3A_338 = arith.index_cast %add3A_269 : i32 to index
        %get3A_339 = arith.constant 96 : index
        %get3A_340 = tpu.vector_load %arg14[%get3A_338, %get3A_339] {strides = array<i32>} : memref<64x128xf32, #tpu.memory_space<vmem>>, vector<16xf32>,
        %get3A_341 = arith.index_cast %add3A_269 : i32 to index
        %get3A_342 = arith.constant 96 : index
        %get3A_343 = tpu.vector_load %arg15[%get3A_341, %get3A_342] {strides = array<i32>} : memref<64x128xf32, #tpu.memory_space<vmem>>, vector<16xf32>,
        %add3A_344 = arith.addf %get3A_340, %get3A_343 : vector<16xf32>
        %mul3A_345 = arith.mulf %add3A_344, %gather3A : vector<16xf32>
        %swap3A_346 = arith.index_cast %add3A_269 : i32 to index
        %swap3A_347 = arith.constant 96 : index
        %swap3A_348 = tpu.vector_load %arg14[%swap3A_346, %swap3A_347] {strides = array<i32>} : memref<64x128xf32, #tpu.memory_space<vmem>>, vector<16xf32>,
        tpu.vector_store %arg14[%swap3A_346, %swap3A_347], %mul3A_345 {strides = array<i32>} : memref<64x128xf32, #tpu.memory_space<vmem>>, vector<16xf32>,
        %get3A_349 = arith.index_cast %add3A_269 : i32 to index
        %get3A_350 = arith.constant 112 : index
        %get3A_351 = tpu.vector_load %arg14[%get3A_349, %get3A_350] {strides = array<i32>} : memref<64x128xf32, #tpu.memory_space<vmem>>, vector<16xf32>,
        %get3A_352 = arith.index_cast %add3A_269 : i32 to index
        %get3A_353 = arith.constant 112 : index
        %get3A_354 = tpu.vector_load %arg15[%get3A_352, %get3A_353] {strides = array<i32>} : memref<64x128xf32, #tpu.memory_space<vmem>>, vector<16xf32>,
        %add3A_355 = arith.addf %get3A_351, %get3A_354 : vector<16xf32>
        %mul3A_356 = arith.mulf %add3A_355, %gather3A : vector<16xf32>
        %swap3A_357 = arith.index_cast %add3A_269 : i32 to index
        %swap3A_358 = arith.constant 112 : index
        %swap3A_359 = tpu.vector_load %arg14[%swap3A_357, %swap3A_358] {strides = array<i32>} : memref<64x128xf32, #tpu.memory_space<vmem>>, vector<16xf32>,
        tpu.vector_store %arg14[%swap3A_357, %swap3A_358], %mul3A_356 {strides = array<i32>} : memref<64x128xf32, #tpu.memory_space<vmem>>, vector<16xf32>,
        %mul3A_360 = arith.constant 2 : i32
        %mul3A_361 = arith.muli %scan3A_264, %mul3A_360 : i32
        %add3A_362 = arith.constant 1 : i32
        %add3A_363 = arith.addi %mul3A_361, %add3A_362 : i32
        %add3A_364 = vector.broadcast %add3A_363 : i32 to vector<16xi32>
        %add3A_365 = arith.addi %broadcast_in_dim3A_1, %add3A_364 : vector<16xi32>
        %gather3A_366 = tpu.vector_load_idx %arg21[%add3A_365] : memref<64xf32, #tpu.memory_space<vmem>>[vector<16xi32>], vector<16xf32>,
        %get3A_367 = arith.index_cast %add3A_363 : i32 to index
        %get3A_368 = arith.constant 0 : index
        %get3A_369 = tpu.vector_load %arg14[%get3A_367, %get3A_368] {strides = array<i32>} : memref<64x128xf32, #tpu.memory_space<vmem>>, vector<16xf32>,
        %get3A_370 = arith.index_cast %add3A_363 : i32 to index
        %get3A_371 = arith.constant 0 : index
        %get3A_372 = tpu.vector_load %arg15[%get3A_370, %get3A_371] {strides = array<i32>} : memref<64x128xf32, #tpu.memory_space<vmem>>, vector<16xf32>,
        %add3A_373 = arith.addf %get3A_369, %get3A_372 : vector<16xf32>
        %mul3A_374 = arith.mulf %add3A_373, %gather3A_366 : vector<16xf32>
        %swap3A_375 = arith.index_cast %add3A_363 : i32 to index
        %swap3A_376 = arith.constant 0 : index
        %swap3A_377 = tpu.vector_load %arg14[%swap3A_375, %swap3A_376] {strides = array<i32>} : memref<64x128xf32, #tpu.memory_space<vmem>>, vector<16xf32>,
        tpu.vector_store %arg14[%swap3A_375, %swap3A_376], %mul3A_374 {strides = array<i32>} : memref<64x128xf32, #tpu.memory_space<vmem>>, vector<16xf32>,
        %get3A_378 = arith.index_cast %add3A_363 : i32 to index
        %get3A_379 = arith.constant 16 : index
        %get3A_380 = tpu.vector_load %arg14[%get3A_378, %get3A_379] {strides = array<i32>} : memref<64x128xf32, #tpu.memory_space<vmem>>, vector<16xf32>,
        %get3A_381 = arith.index_cast %add3A_363 : i32 to index
        %get3A_382 = arith.constant 16 : index
        %get3A_383 = tpu.vector_load %arg15[%get3A_381, %get3A_382] {strides = array<i32>} : memref<64x128xf32, #tpu.memory_space<vmem>>, vector<16xf32>,
        %add3A_384 = arith.addf %get3A_380, %get3A_383 : vector<16xf32>
        %mul3A_385 = arith.mulf %add3A_384, %gather3A_366 : vector<16xf32>
        %swap3A_386 = arith.index_cast %add3A_363 : i32 to index
        %swap3A_387 = arith.constant 16 : index
        %swap3A_388 = tpu.vector_load %arg14[%swap3A_386, %swap3A_387] {strides = array<i32>} : memref<64x128xf32, #tpu.memory_space<vmem>>, vector<16xf32>,
        tpu.vector_store %arg14[%swap3A_386, %swap3A_387], %mul3A_385 {strides = array<i32>} : memref<64x128xf32, #tpu.memory_space<vmem>>, vector<16xf32>,
        %get3A_389 = arith.index_cast %add3A_363 : i32 to index
        %get3A_390 = arith.constant 32 : index
        %get3A_391 = tpu.vector_load %arg14[%get3A_389, %get3A_390] {strides = array<i32>} : memref<64x128xf32, #tpu.memory_space<vmem>>, vector<16xf32>,
        %get3A_392 = arith.index_cast %add3A_363 : i32 to index
        %get3A_393 = arith.constant 32 : index
        %get3A_394 = tpu.vector_load %arg15[%get3A_392, %get3A_393] {strides = array<i32>} : memref<64x128xf32, #tpu.memory_space<vmem>>, vector<16xf32>,
        %add3A_395 = arith.addf %get3A_391, %get3A_394 : vector<16xf32>
        %mul3A_396 = arith.mulf %add3A_395, %gather3A_366 : vector<16xf32>
        %swap3A_397 = arith.index_cast %add3A_363 : i32 to index
        %swap3A_398 = arith.constant 32 : index
        %swap3A_399 = tpu.vector_load %arg14[%swap3A_397, %swap3A_398] {strides = array<i32>} : memref<64x128xf32, #tpu.memory_space<vmem>>, vector<16xf32>,
        tpu.vector_store %arg14[%swap3A_397, %swap3A_398], %mul3A_396 {strides = array<i32>} : memref<64x128xf32, #tpu.memory_space<vmem>>, vector<16xf32>,
        %get3A_400 = arith.index_cast %add3A_363 : i32 to index
        %get3A_401 = arith.constant 48 : index
        %get3A_402 = tpu.vector_load %arg14[%get3A_400, %get3A_401] {strides = array<i32>} : memref<64x128xf32, #tpu.memory_space<vmem>>, vector<16xf32>,
        %get3A_403 = arith.index_cast %add3A_363 : i32 to index
        %get3A_404 = arith.constant 48 : index
        %get3A_405 = tpu.vector_load %arg15[%get3A_403, %get3A_404] {strides = array<i32>} : memref<64x128xf32, #tpu.memory_space<vmem>>, vector<16xf32>,
        %add3A_406 = arith.addf %get3A_402, %get3A_405 : vector<16xf32>
        %mul3A_407 = arith.mulf %add3A_406, %gather3A_366 : vector<16xf32>
        %swap3A_408 = arith.index_cast %add3A_363 : i32 to index
        %swap3A_409 = arith.constant 48 : index
        %swap3A_410 = tpu.vector_load %arg14[%swap3A_408, %swap3A_409] {strides = array<i32>} : memref<64x128xf32, #tpu.memory_space<vmem>>, vector<16xf32>,
        tpu.vector_store %arg14[%swap3A_408, %swap3A_409], %mul3A_407 {strides = array<i32>} : memref<64x128xf32, #tpu.memory_space<vmem>>, vector<16xf32>,
        %get3A_411 = arith.index_cast %add3A_363 : i32 to index
        %get3A_412 = arith.constant 64 : index
        %get3A_413 = tpu.vector_load %arg14[%get3A_411, %get3A_412] {strides = array<i32>} : memref<64x128xf32, #tpu.memory_space<vmem>>, vector<16xf32>,
        %get3A_414 = arith.index_cast %add3A_363 : i32 to index
        %get3A_415 = arith.constant 64 : index
        %get3A_416 = tpu.vector_load %arg15[%get3A_414, %get3A_415] {strides = array<i32>} : memref<64x128xf32, #tpu.memory_space<vmem>>, vector<16xf32>,
        %add3A_417 = arith.addf %get3A_413, %get3A_416 : vector<16xf32>
        %mul3A_418 = arith.mulf %add3A_417, %gather3A_366 : vector<16xf32>
        %swap3A_419 = arith.index_cast %add3A_363 : i32 to index
        %swap3A_420 = arith.constant 64 : index
        %swap3A_421 = tpu.vector_load %arg14[%swap3A_419, %swap3A_420] {strides = array<i32>} : memref<64x128xf32, #tpu.memory_space<vmem>>, vector<16xf32>,
        tpu.vector_store %arg14[%swap3A_419, %swap3A_420], %mul3A_418 {strides = array<i32>} : memref<64x128xf32, #tpu.memory_space<vmem>>, vector<16xf32>,
        %get3A_422 = arith.index_cast %add3A_363 : i32 to index
        %get3A_423 = arith.constant 80 : index
        %get3A_424 = tpu.vector_load %arg14[%get3A_422, %get3A_423] {strides = array<i32>} : memref<64x128xf32, #tpu.memory_space<vmem>>, vector<16xf32>,
        %get3A_425 = arith.index_cast %add3A_363 : i32 to index
        %get3A_426 = arith.constant 80 : index
        %get3A_427 = tpu.vector_load %arg15[%get3A_425, %get3A_426] {strides = array<i32>} : memref<64x128xf32, #tpu.memory_space<vmem>>, vector<16xf32>,
        %add3A_428 = arith.addf %get3A_424, %get3A_427 : vector<16xf32>
        %mul3A_429 = arith.mulf %add3A_428, %gather3A_366 : vector<16xf32>
        %swap3A_430 = arith.index_cast %add3A_363 : i32 to index
        %swap3A_431 = arith.constant 80 : index
        %swap3A_432 = tpu.vector_load %arg14[%swap3A_430, %swap3A_431] {strides = array<i32>} : memref<64x128xf32, #tpu.memory_space<vmem>>, vector<16xf32>,
        tpu.vector_store %arg14[%swap3A_430, %swap3A_431], %mul3A_429 {strides = array<i32>} : memref<64x128xf32, #tpu.memory_space<vmem>>, vector<16xf32>,
        %get3A_433 = arith.index_cast %add3A_363 : i32 to index
        %get3A_434 = arith.constant 96 : index
        %get3A_435 = tpu.vector_load %arg14[%get3A_433, %get3A_434] {strides = array<i32>} : memref<64x128xf32, #tpu.memory_space<vmem>>, vector<16xf32>,
        %get3A_436 = arith.index_cast %add3A_363 : i32 to index
        %get3A_437 = arith.constant 96 : index
        %get3A_438 = tpu.vector_load %arg15[%get3A_436, %get3A_437] {strides = array<i32>} : memref<64x128xf32, #tpu.memory_space<vmem>>, vector<16xf32>,
        %add3A_439 = arith.addf %get3A_435, %get3A_438 : vector<16xf32>
        %mul3A_440 = arith.mulf %add3A_439, %gather3A_366 : vector<16xf32>
        %swap3A_441 = arith.index_cast %add3A_363 : i32 to index
        %swap3A_442 = arith.constant 96 : index
        %swap3A_443 = tpu.vector_load %arg14[%swap3A_441, %swap3A_442] {strides = array<i32>} : memref<64x128xf32, #tpu.memory_space<vmem>>, vector<16xf32>,
        tpu.vector_store %arg14[%swap3A_441, %swap3A_442], %mul3A_440 {strides = array<i32>} : memref<64x128xf32, #tpu.memory_space<vmem>>, vector<16xf32>,
        %get3A_444 = arith.index_cast %add3A_363 : i32 to index
        %get3A_445 = arith.constant 112 : index
        %get3A_446 = tpu.vector_load %arg14[%get3A_444, %get3A_445] {strides = array<i32>} : memref<64x128xf32, #tpu.memory_space<vmem>>, vector<16xf32>,
        %get3A_447 = arith.index_cast %add3A_363 : i32 to index
        %get3A_448 = arith.constant 112 : index
        %get3A_449 = tpu.vector_load %arg15[%get3A_447, %get3A_448] {strides = array<i32>} : memref<64x128xf32, #tpu.memory_space<vmem>>, vector<16xf32>,
        %add3A_450 = arith.addf %get3A_446, %get3A_449 : vector<16xf32>
        %mul3A_451 = arith.mulf %add3A_450, %gather3A_366 : vector<16xf32>
        %swap3A_452 = arith.index_cast %add3A_363 : i32 to index
        %swap3A_453 = arith.constant 112 : index
        %swap3A_454 = tpu.vector_load %arg14[%swap3A_452, %swap3A_453] {strides = array<i32>} : memref<64x128xf32, #tpu.memory_space<vmem>>, vector<16xf32>,
        tpu.vector_store %arg14[%swap3A_452, %swap3A_453], %mul3A_451 {strides = array<i32>} : memref<64x128xf32, #tpu.memory_space<vmem>>, vector<16xf32>,
        %scan3A_455 = arith.constant 0 : i32
        scf.yield %scan3A_455 : i32
      }
      %scan3A_149 = arith.constant 32 : i32
      "tpu.region"() ({
        %run_scoped3A = tpu.sem_alloc : memref<!tpu.dma_semaphore, #tpu.memory_space<semaphore_mem>>
        %dma_start3A_264 = arith.constant 0 : i32
        %dma_start3A_265 = arith.constant 0 : i32
        %dma_start3A_266 = tpu.memref_slice %arg10[%dma_start3A_264, %dma_start3A_265] : memref<10112x128xf32, #tpu.memory_space<vmem_shared>> -> memref<10112x128xf32, #tpu.memory_space<vmem_shared>>
        tpu.enqueue_indirect_dma source(%arg14 : memref<64x128xf32, #tpu.memory_space<vmem>>) target(%dma_start3A_266 : memref<10112x128xf32, #tpu.memory_space<vmem_shared>>) offsets(%arg11 : memref<64xi32, #tpu.memory_space<vmem>>) semaphore(%run_scoped3A : memref<!tpu.dma_semaphore, #tpu.memory_space<semaphore_mem>>) {add = true}
        %dma_wait3A_267 = arith.constant 0 : i32
        %dma_wait3A_268 = arith.constant 0 : i32
        %dma_wait3A_269 = tpu.memref_slice %arg10[%dma_wait3A_267, %dma_wait3A_268] : memref<10112x128xf32, #tpu.memory_space<vmem_shared>> -> memref<10112x128xf32, #tpu.memory_space<vmem_shared>>
        tpu.wait_indirect_dma semaphore(%run_scoped3A : memref<!tpu.dma_semaphore, #tpu.memory_space<semaphore_mem>>) src(%arg14 : memref<64x128xf32, #tpu.memory_space<vmem>>) dst(%dma_wait3A_269 : memref<10112x128xf32, #tpu.memory_space<vmem_shared>>)
        tpu.yield
      }) : () -> ()
      "tpu.region"() ({
        %run_scoped3A = tpu.sem_alloc : memref<!tpu.dma_semaphore, #tpu.memory_space<semaphore_mem>>
        %dma_start3A_264 = arith.constant 0 : i32
        %dma_start3A_265 = arith.constant 0 : i32
        %dma_start3A_266 = tpu.memref_slice %arg10[%dma_start3A_264, %dma_start3A_265] : memref<10112x128xf32, #tpu.memory_space<vmem_shared>> -> memref<10112x128xf32, #tpu.memory_space<vmem_shared>>
        tpu.enqueue_indirect_dma source(%arg14 : memref<64x128xf32, #tpu.memory_space<vmem>>) target(%dma_start3A_266 : memref<10112x128xf32, #tpu.memory_space<vmem_shared>>) offsets(%arg12 : memref<64xi32, #tpu.memory_space<vmem>>) semaphore(%run_scoped3A : memref<!tpu.dma_semaphore, #tpu.memory_space<semaphore_mem>>) {add = true}
        %dma_wait3A_267 = arith.constant 0 : i32
        %dma_wait3A_268 = arith.constant 0 : i32
        %dma_wait3A_269 = tpu.memref_slice %arg10[%dma_wait3A_267, %dma_wait3A_268] : memref<10112x128xf32, #tpu.memory_space<vmem_shared>> -> memref<10112x128xf32, #tpu.memory_space<vmem_shared>>
        tpu.wait_indirect_dma semaphore(%run_scoped3A : memref<!tpu.dma_semaphore, #tpu.memory_space<semaphore_mem>>) src(%arg14 : memref<64x128xf32, #tpu.memory_space<vmem>>) dst(%dma_wait3A_269 : memref<10112x128xf32, #tpu.memory_space<vmem_shared>>)
        tpu.yield
      }) : () -> ()
      %add3A_150 = arith.constant 2 : i32
      %add3A_151 = arith.addi %mul3A_43, %add3A_150 : i32
      %min3A_152 = arith.constant 157 : i32
      %min3A_153 = arith.minsi %add3A_151, %min3A_152 : i32
      %mul3A_154 = arith.constant 64 : i32
      %mul3A_155 = arith.muli %min3A_153, %mul3A_154 : i32
      %add3A_156 = arith.addi %mul3A_5, %mul3A_155 : i32
      %dma_start3A_157 = tpu.memref_slice %arg3[%add3A_156] : memref<323584xi32, #tpu.memory_space<hbm>> -> memref<64xi32, #tpu.memory_space<hbm>>
      %dma_start3A_158 = tpu.memref_slice %arg3[%add3A_156] : memref<323584xi32, #tpu.memory_space<hbm>> -> memref<64xi32, #tpu.memory_space<hbm>>
      tpu.enqueue_dma source(%dma_start3A_158 : memref<64xi32, #tpu.memory_space<hbm>>) target(%arg11 : memref<64xi32, #tpu.memory_space<vmem>>) target_semaphore(%arg28 : memref<!tpu.dma_semaphore, #tpu.memory_space<semaphore_mem>>)
      %dma_start3A_159 = tpu.memref_slice %arg4[%add3A_156] : memref<323584xi32, #tpu.memory_space<hbm>> -> memref<64xi32, #tpu.memory_space<hbm>>
      %dma_start3A_160 = tpu.memref_slice %arg4[%add3A_156] : memref<323584xi32, #tpu.memory_space<hbm>> -> memref<64xi32, #tpu.memory_space<hbm>>
      tpu.enqueue_dma source(%dma_start3A_160 : memref<64xi32, #tpu.memory_space<hbm>>) target(%arg12 : memref<64xi32, #tpu.memory_space<vmem>>) target_semaphore(%arg28 : memref<!tpu.dma_semaphore, #tpu.memory_space<semaphore_mem>>)
      %dma_start3A_161 = tpu.memref_slice %arg5[%add3A_156] : memref<323584xf32, #tpu.memory_space<hbm>> -> memref<64xf32, #tpu.memory_space<hbm>>
      %dma_start3A_162 = tpu.memref_slice %arg5[%add3A_156] : memref<323584xf32, #tpu.memory_space<hbm>> -> memref<64xf32, #tpu.memory_space<hbm>>
      tpu.enqueue_dma source(%dma_start3A_162 : memref<64xf32, #tpu.memory_space<hbm>>) target(%arg13 : memref<64xf32, #tpu.memory_space<vmem>>) target_semaphore(%arg28 : memref<!tpu.dma_semaphore, #tpu.memory_space<semaphore_mem>>)
      %dma_wait3A_163 = tpu.memref_slice %arg3[%add3A_156] : memref<323584xi32, #tpu.memory_space<hbm>> -> memref<64xi32, #tpu.memory_space<hbm>>
      %dma_wait3A_164 = tpu.memref_slice %arg3[%add3A_156] : memref<323584xi32, #tpu.memory_space<hbm>> -> memref<64xi32, #tpu.memory_space<hbm>>
      tpu.wait_dma2 semaphore(%arg28 : memref<!tpu.dma_semaphore, #tpu.memory_space<semaphore_mem>>) src(%dma_wait3A_164 : memref<64xi32, #tpu.memory_space<hbm>>) dst(%arg11 : memref<64xi32, #tpu.memory_space<vmem>>)
      %dma_wait3A_165 = tpu.memref_slice %arg4[%add3A_156] : memref<323584xi32, #tpu.memory_space<hbm>> -> memref<64xi32, #tpu.memory_space<hbm>>
      %dma_wait3A_166 = tpu.memref_slice %arg4[%add3A_156] : memref<323584xi32, #tpu.memory_space<hbm>> -> memref<64xi32, #tpu.memory_space<hbm>>
      tpu.wait_dma2 semaphore(%arg28 : memref<!tpu.dma_semaphore, #tpu.memory_space<semaphore_mem>>) src(%dma_wait3A_166 : memref<64xi32, #tpu.memory_space<hbm>>) dst(%arg12 : memref<64xi32, #tpu.memory_space<vmem>>)
      %dma_wait3A_167 = tpu.memref_slice %arg5[%add3A_156] : memref<323584xf32, #tpu.memory_space<hbm>> -> memref<64xf32, #tpu.memory_space<hbm>>
      %dma_wait3A_168 = tpu.memref_slice %arg5[%add3A_156] : memref<323584xf32, #tpu.memory_space<hbm>> -> memref<64xf32, #tpu.memory_space<hbm>>
      tpu.wait_dma2 semaphore(%arg28 : memref<!tpu.dma_semaphore, #tpu.memory_space<semaphore_mem>>) src(%dma_wait3A_168 : memref<64xf32, #tpu.memory_space<hbm>>) dst(%arg13 : memref<64xf32, #tpu.memory_space<vmem>>)
      %dma_start3A_169 = arith.constant 0 : i32
      %dma_start3A_170 = arith.constant 0 : i32
      %dma_start3A_171 = tpu.memref_slice %arg2[%dma_start3A_169, %dma_start3A_170] : memref<10000x128xf32, #tpu.memory_space<hbm>> -> memref<10000x128xf32, #tpu.memory_space<hbm>>
      tpu.enqueue_indirect_dma source(%dma_start3A_171 : memref<10000x128xf32, #tpu.memory_space<hbm>>) target(%arg14 : memref<64x128xf32, #tpu.memory_space<vmem>>) offsets(%arg11 : memref<64xi32, #tpu.memory_space<vmem>>) semaphore(%arg24 : memref<!tpu.dma_semaphore, #tpu.memory_space<semaphore_mem>>)
      %dma_start3A_172 = arith.constant 0 : i32
      %dma_start3A_173 = arith.constant 0 : i32
      %dma_start3A_174 = tpu.memref_slice %arg2[%dma_start3A_172, %dma_start3A_173] : memref<10000x128xf32, #tpu.memory_space<hbm>> -> memref<10000x128xf32, #tpu.memory_space<hbm>>
      tpu.enqueue_indirect_dma source(%dma_start3A_174 : memref<10000x128xf32, #tpu.memory_space<hbm>>) target(%arg15 : memref<64x128xf32, #tpu.memory_space<vmem>>) offsets(%arg12 : memref<64xi32, #tpu.memory_space<vmem>>) semaphore(%arg25 : memref<!tpu.dma_semaphore, #tpu.memory_space<semaphore_mem>>)
      %dma_wait3A_175 = arith.constant 0 : i32
      %dma_wait3A_176 = arith.constant 0 : i32
      %dma_wait3A_177 = tpu.memref_slice %arg2[%dma_wait3A_175, %dma_wait3A_176] : memref<10000x128xf32, #tpu.memory_space<hbm>> -> memref<10000x128xf32, #tpu.memory_space<hbm>>
      tpu.wait_indirect_dma semaphore(%arg26 : memref<!tpu.dma_semaphore, #tpu.memory_space<semaphore_mem>>) src(%dma_wait3A_177 : memref<10000x128xf32, #tpu.memory_space<hbm>>) dst(%arg19 : memref<64x128xf32, #tpu.memory_space<vmem>>)
      %dma_wait3A_178 = arith.constant 0 : i32
      %dma_wait3A_179 = arith.constant 0 : i32
      %dma_wait3A_180 = tpu.memref_slice %arg2[%dma_wait3A_178, %dma_wait3A_179] : memref<10000x128xf32, #tpu.memory_space<hbm>> -> memref<10000x128xf32, #tpu.memory_space<hbm>>
      tpu.wait_indirect_dma semaphore(%arg27 : memref<!tpu.dma_semaphore, #tpu.memory_space<semaphore_mem>>) src(%dma_wait3A_180 : memref<10000x128xf32, #tpu.memory_space<hbm>>) dst(%arg20 : memref<64x128xf32, #tpu.memory_space<vmem>>)
      %get3A_181 = arith.constant 0 : index
      %get3A_182 = tpu.vector_load %arg18[%get3A_181] {strides = array<i32>} : memref<64xf32, #tpu.memory_space<vmem>>, vector<16xf32>,
      %sub3A_183 = arith.subf %get3A_182, %get3A_24 : vector<16xf32>
      %mul3A_184 = arith.mulf %sub3A_183, %get3A_26 : vector<16xf32>
      %lt3A_185 = arith.constant 0.000000e+00 : f32
      %lt3A_186 = vector.broadcast %lt3A_185 : f32 to vector<16xf32>
      %lt3A_187 = arith.cmpf olt, %sub3A_183, %lt3A_186 : vector<16xf32>
      %jit3A_188 = arith.constant 1.000000e+00 : f32
      %broadcast_in_dim3A_189 = vector.broadcast %jit3A_188 : f32 to vector<16xf32>
      %select_n3A_190 = arith.select %lt3A_187, %mul3A_184, %broadcast_in_dim3A_189 : vector<16xi1>, vector<16xf32>
      %div3A_191 = arith.constant -1.000000e+00 : f32
      %div3A_192 = vector.broadcast %div3A_191 : f32 to vector<16xf32>
      %div3A_193 = arith.divf %div3A_192, %select_n3A_190 : vector<16xf32>
      %exp3A_194 = math.exp %div3A_193 : vector<16xf32>
      %jit3A_195 = arith.constant 0.000000e+00 : f32
      %broadcast_in_dim3A_196 = vector.broadcast %jit3A_195 : f32 to vector<16xf32>
      %select_n3A_197 = arith.select %lt3A_187, %exp3A_194, %broadcast_in_dim3A_196 : vector<16xi1>, vector<16xf32>
      %swap3A_198 = arith.constant 0 : index
      %swap3A_199 = tpu.vector_load %arg21[%swap3A_198] {strides = array<i32>} : memref<64xf32, #tpu.memory_space<vmem>>, vector<16xf32>,
      tpu.vector_store %arg21[%swap3A_198], %select_n3A_197 {strides = array<i32>} : memref<64xf32, #tpu.memory_space<vmem>>, vector<16xf32>,
      %get3A_200 = arith.constant 16 : index
      %get3A_201 = tpu.vector_load %arg18[%get3A_200] {strides = array<i32>} : memref<64xf32, #tpu.memory_space<vmem>>, vector<16xf32>,
      %sub3A_202 = arith.subf %get3A_201, %get3A_24 : vector<16xf32>
      %mul3A_203 = arith.mulf %sub3A_202, %get3A_26 : vector<16xf32>
      %lt3A_204 = arith.constant 0.000000e+00 : f32
      %lt3A_205 = vector.broadcast %lt3A_204 : f32 to vector<16xf32>
      %lt3A_206 = arith.cmpf olt, %sub3A_202, %lt3A_205 : vector<16xf32>
      %jit3A_207 = arith.constant 1.000000e+00 : f32
      %broadcast_in_dim3A_208 = vector.broadcast %jit3A_207 : f32 to vector<16xf32>
      %select_n3A_209 = arith.select %lt3A_206, %mul3A_203, %broadcast_in_dim3A_208 : vector<16xi1>, vector<16xf32>
      %div3A_210 = arith.constant -1.000000e+00 : f32
      %div3A_211 = vector.broadcast %div3A_210 : f32 to vector<16xf32>
      %div3A_212 = arith.divf %div3A_211, %select_n3A_209 : vector<16xf32>
      %exp3A_213 = math.exp %div3A_212 : vector<16xf32>
      %jit3A_214 = arith.constant 0.000000e+00 : f32
      %broadcast_in_dim3A_215 = vector.broadcast %jit3A_214 : f32 to vector<16xf32>
      %select_n3A_216 = arith.select %lt3A_206, %exp3A_213, %broadcast_in_dim3A_215 : vector<16xi1>, vector<16xf32>
      %swap3A_217 = arith.constant 16 : index
      %swap3A_218 = tpu.vector_load %arg21[%swap3A_217] {strides = array<i32>} : memref<64xf32, #tpu.memory_space<vmem>>, vector<16xf32>,
      tpu.vector_store %arg21[%swap3A_217], %select_n3A_216 {strides = array<i32>} : memref<64xf32, #tpu.memory_space<vmem>>, vector<16xf32>,
      %get3A_219 = arith.constant 32 : index
      %get3A_220 = tpu.vector_load %arg18[%get3A_219] {strides = array<i32>} : memref<64xf32, #tpu.memory_space<vmem>>, vector<16xf32>,
      %sub3A_221 = arith.subf %get3A_220, %get3A_24 : vector<16xf32>
      %mul3A_222 = arith.mulf %sub3A_221, %get3A_26 : vector<16xf32>
      %lt3A_223 = arith.constant 0.000000e+00 : f32
      %lt3A_224 = vector.broadcast %lt3A_223 : f32 to vector<16xf32>
      %lt3A_225 = arith.cmpf olt, %sub3A_221, %lt3A_224 : vector<16xf32>
      %jit3A_226 = arith.constant 1.000000e+00 : f32
      %broadcast_in_dim3A_227 = vector.broadcast %jit3A_226 : f32 to vector<16xf32>
      %select_n3A_228 = arith.select %lt3A_225, %mul3A_222, %broadcast_in_dim3A_227 : vector<16xi1>, vector<16xf32>
      %div3A_229 = arith.constant -1.000000e+00 : f32
      %div3A_230 = vector.broadcast %div3A_229 : f32 to vector<16xf32>
      %div3A_231 = arith.divf %div3A_230, %select_n3A_228 : vector<16xf32>
      %exp3A_232 = math.exp %div3A_231 : vector<16xf32>
      %jit3A_233 = arith.constant 0.000000e+00 : f32
      %broadcast_in_dim3A_234 = vector.broadcast %jit3A_233 : f32 to vector<16xf32>
      %select_n3A_235 = arith.select %lt3A_225, %exp3A_232, %broadcast_in_dim3A_234 : vector<16xi1>, vector<16xf32>
      %swap3A_236 = arith.constant 32 : index
      %swap3A_237 = tpu.vector_load %arg21[%swap3A_236] {strides = array<i32>} : memref<64xf32, #tpu.memory_space<vmem>>, vector<16xf32>,
      tpu.vector_store %arg21[%swap3A_236], %select_n3A_235 {strides = array<i32>} : memref<64xf32, #tpu.memory_space<vmem>>, vector<16xf32>,
      %get3A_238 = arith.constant 48 : index
      %get3A_239 = tpu.vector_load %arg18[%get3A_238] {strides = array<i32>} : memref<64xf32, #tpu.memory_space<vmem>>, vector<16xf32>,
      %sub3A_240 = arith.subf %get3A_239, %get3A_24 : vector<16xf32>
      %mul3A_241 = arith.mulf %sub3A_240, %get3A_26 : vector<16xf32>
      %lt3A_242 = arith.constant 0.000000e+00 : f32
      %lt3A_243 = vector.broadcast %lt3A_242 : f32 to vector<16xf32>
      %lt3A_244 = arith.cmpf olt, %sub3A_240, %lt3A_243 : vector<16xf32>
      %jit3A_245 = arith.constant 1.000000e+00 : f32
      %broadcast_in_dim3A_246 = vector.broadcast %jit3A_245 : f32 to vector<16xf32>
      %select_n3A_247 = arith.select %lt3A_244, %mul3A_241, %broadcast_in_dim3A_246 : vector<16xi1>, vector<16xf32>
      %div3A_248 = arith.constant -1.000000e+00 : f32
      %div3A_249 = vector.broadcast %div3A_248 : f32 to vector<16xf32>
      %div3A_250 = arith.divf %div3A_249, %select_n3A_247 : vector<16xf32>
      %exp3A_251 = math.exp %div3A_250 : vector<16xf32>
      %jit3A_252 = arith.constant 0.000000e+00 : f32
      %broadcast_in_dim3A_253 = vector.broadcast %jit3A_252 : f32 to vector<16xf32>
      %select_n3A_254 = arith.select %lt3A_244, %exp3A_251, %broadcast_in_dim3A_253 : vector<16xi1>, vector<16xf32>
      %swap3A_255 = arith.constant 48 : index
      %swap3A_256 = tpu.vector_load %arg21[%swap3A_255] {strides = array<i32>} : memref<64xf32, #tpu.memory_space<vmem>>, vector<16xf32>,
      tpu.vector_store %arg21[%swap3A_255], %select_n3A_254 {strides = array<i32>} : memref<64xf32, #tpu.memory_space<vmem>>, vector<16xf32>,
      %scan3A_257 = arith.constant 0 : i32
      %scan3A_258 = arith.constant 0 : i32
      %scan3A_259 = arith.constant 32 : i32
      %scan3A_260 = arith.addi %scan3A_258, %scan3A_259 : i32
      %scan3A_261 = arith.constant 1 : i32
      %scan3A_262 = scf.for %scan3A_264 = %scan3A_258 to %scan3A_260 step %scan3A_261 iter_args(%scan3A_265 = %scan3A_257) -> (i32)  : i32 {
        %mul3A_266 = arith.constant 2 : i32
        %mul3A_267 = arith.muli %scan3A_264, %mul3A_266 : i32
        %add3A_268 = arith.constant 0 : i32
        %add3A_269 = arith.addi %mul3A_267, %add3A_268 : i32
        %add3A_270 = vector.broadcast %add3A_269 : i32 to vector<16xi32>
        %add3A_271 = arith.addi %broadcast_in_dim3A_1, %add3A_270 : vector<16xi32>
        %gather3A = tpu.vector_load_idx %arg21[%add3A_271] : memref<64xf32, #tpu.memory_space<vmem>>[vector<16xi32>], vector<16xf32>,
        %get3A_272 = arith.index_cast %add3A_269 : i32 to index
        %get3A_273 = arith.constant 0 : index
        %get3A_274 = tpu.vector_load %arg19[%get3A_272, %get3A_273] {strides = array<i32>} : memref<64x128xf32, #tpu.memory_space<vmem>>, vector<16xf32>,
        %get3A_275 = arith.index_cast %add3A_269 : i32 to index
        %get3A_276 = arith.constant 0 : index
        %get3A_277 = tpu.vector_load %arg20[%get3A_275, %get3A_276] {strides = array<i32>} : memref<64x128xf32, #tpu.memory_space<vmem>>, vector<16xf32>,
        %add3A_278 = arith.addf %get3A_274, %get3A_277 : vector<16xf32>
        %mul3A_279 = arith.mulf %add3A_278, %gather3A : vector<16xf32>
        %swap3A_280 = arith.index_cast %add3A_269 : i32 to index
        %swap3A_281 = arith.constant 0 : index
        %swap3A_282 = tpu.vector_load %arg19[%swap3A_280, %swap3A_281] {strides = array<i32>} : memref<64x128xf32, #tpu.memory_space<vmem>>, vector<16xf32>,
        tpu.vector_store %arg19[%swap3A_280, %swap3A_281], %mul3A_279 {strides = array<i32>} : memref<64x128xf32, #tpu.memory_space<vmem>>, vector<16xf32>,
        %get3A_283 = arith.index_cast %add3A_269 : i32 to index
        %get3A_284 = arith.constant 16 : index
        %get3A_285 = tpu.vector_load %arg19[%get3A_283, %get3A_284] {strides = array<i32>} : memref<64x128xf32, #tpu.memory_space<vmem>>, vector<16xf32>,
        %get3A_286 = arith.index_cast %add3A_269 : i32 to index
        %get3A_287 = arith.constant 16 : index
        %get3A_288 = tpu.vector_load %arg20[%get3A_286, %get3A_287] {strides = array<i32>} : memref<64x128xf32, #tpu.memory_space<vmem>>, vector<16xf32>,
        %add3A_289 = arith.addf %get3A_285, %get3A_288 : vector<16xf32>
        %mul3A_290 = arith.mulf %add3A_289, %gather3A : vector<16xf32>
        %swap3A_291 = arith.index_cast %add3A_269 : i32 to index
        %swap3A_292 = arith.constant 16 : index
        %swap3A_293 = tpu.vector_load %arg19[%swap3A_291, %swap3A_292] {strides = array<i32>} : memref<64x128xf32, #tpu.memory_space<vmem>>, vector<16xf32>,
        tpu.vector_store %arg19[%swap3A_291, %swap3A_292], %mul3A_290 {strides = array<i32>} : memref<64x128xf32, #tpu.memory_space<vmem>>, vector<16xf32>,
        %get3A_294 = arith.index_cast %add3A_269 : i32 to index
        %get3A_295 = arith.constant 32 : index
        %get3A_296 = tpu.vector_load %arg19[%get3A_294, %get3A_295] {strides = array<i32>} : memref<64x128xf32, #tpu.memory_space<vmem>>, vector<16xf32>,
        %get3A_297 = arith.index_cast %add3A_269 : i32 to index
        %get3A_298 = arith.constant 32 : index
        %get3A_299 = tpu.vector_load %arg20[%get3A_297, %get3A_298] {strides = array<i32>} : memref<64x128xf32, #tpu.memory_space<vmem>>, vector<16xf32>,
        %add3A_300 = arith.addf %get3A_296, %get3A_299 : vector<16xf32>
        %mul3A_301 = arith.mulf %add3A_300, %gather3A : vector<16xf32>
        %swap3A_302 = arith.index_cast %add3A_269 : i32 to index
        %swap3A_303 = arith.constant 32 : index
        %swap3A_304 = tpu.vector_load %arg19[%swap3A_302, %swap3A_303] {strides = array<i32>} : memref<64x128xf32, #tpu.memory_space<vmem>>, vector<16xf32>,
        tpu.vector_store %arg19[%swap3A_302, %swap3A_303], %mul3A_301 {strides = array<i32>} : memref<64x128xf32, #tpu.memory_space<vmem>>, vector<16xf32>,
        %get3A_305 = arith.index_cast %add3A_269 : i32 to index
        %get3A_306 = arith.constant 48 : index
        %get3A_307 = tpu.vector_load %arg19[%get3A_305, %get3A_306] {strides = array<i32>} : memref<64x128xf32, #tpu.memory_space<vmem>>, vector<16xf32>,
        %get3A_308 = arith.index_cast %add3A_269 : i32 to index
        %get3A_309 = arith.constant 48 : index
        %get3A_310 = tpu.vector_load %arg20[%get3A_308, %get3A_309] {strides = array<i32>} : memref<64x128xf32, #tpu.memory_space<vmem>>, vector<16xf32>,
        %add3A_311 = arith.addf %get3A_307, %get3A_310 : vector<16xf32>
        %mul3A_312 = arith.mulf %add3A_311, %gather3A : vector<16xf32>
        %swap3A_313 = arith.index_cast %add3A_269 : i32 to index
        %swap3A_314 = arith.constant 48 : index
        %swap3A_315 = tpu.vector_load %arg19[%swap3A_313, %swap3A_314] {strides = array<i32>} : memref<64x128xf32, #tpu.memory_space<vmem>>, vector<16xf32>,
        tpu.vector_store %arg19[%swap3A_313, %swap3A_314], %mul3A_312 {strides = array<i32>} : memref<64x128xf32, #tpu.memory_space<vmem>>, vector<16xf32>,
        %get3A_316 = arith.index_cast %add3A_269 : i32 to index
        %get3A_317 = arith.constant 64 : index
        %get3A_318 = tpu.vector_load %arg19[%get3A_316, %get3A_317] {strides = array<i32>} : memref<64x128xf32, #tpu.memory_space<vmem>>, vector<16xf32>,
        %get3A_319 = arith.index_cast %add3A_269 : i32 to index
        %get3A_320 = arith.constant 64 : index
        %get3A_321 = tpu.vector_load %arg20[%get3A_319, %get3A_320] {strides = array<i32>} : memref<64x128xf32, #tpu.memory_space<vmem>>, vector<16xf32>,
        %add3A_322 = arith.addf %get3A_318, %get3A_321 : vector<16xf32>
        %mul3A_323 = arith.mulf %add3A_322, %gather3A : vector<16xf32>
        %swap3A_324 = arith.index_cast %add3A_269 : i32 to index
        %swap3A_325 = arith.constant 64 : index
        %swap3A_326 = tpu.vector_load %arg19[%swap3A_324, %swap3A_325] {strides = array<i32>} : memref<64x128xf32, #tpu.memory_space<vmem>>, vector<16xf32>,
        tpu.vector_store %arg19[%swap3A_324, %swap3A_325], %mul3A_323 {strides = array<i32>} : memref<64x128xf32, #tpu.memory_space<vmem>>, vector<16xf32>,
        %get3A_327 = arith.index_cast %add3A_269 : i32 to index
        %get3A_328 = arith.constant 80 : index
        %get3A_329 = tpu.vector_load %arg19[%get3A_327, %get3A_328] {strides = array<i32>} : memref<64x128xf32, #tpu.memory_space<vmem>>, vector<16xf32>,
        %get3A_330 = arith.index_cast %add3A_269 : i32 to index
        %get3A_331 = arith.constant 80 : index
        %get3A_332 = tpu.vector_load %arg20[%get3A_330, %get3A_331] {strides = array<i32>} : memref<64x128xf32, #tpu.memory_space<vmem>>, vector<16xf32>,
        %add3A_333 = arith.addf %get3A_329, %get3A_332 : vector<16xf32>
        %mul3A_334 = arith.mulf %add3A_333, %gather3A : vector<16xf32>
        %swap3A_335 = arith.index_cast %add3A_269 : i32 to index
        %swap3A_336 = arith.constant 80 : index
        %swap3A_337 = tpu.vector_load %arg19[%swap3A_335, %swap3A_336] {strides = array<i32>} : memref<64x128xf32, #tpu.memory_space<vmem>>, vector<16xf32>,
        tpu.vector_store %arg19[%swap3A_335, %swap3A_336], %mul3A_334 {strides = array<i32>} : memref<64x128xf32, #tpu.memory_space<vmem>>, vector<16xf32>,
        %get3A_338 = arith.index_cast %add3A_269 : i32 to index
        %get3A_339 = arith.constant 96 : index
        %get3A_340 = tpu.vector_load %arg19[%get3A_338, %get3A_339] {strides = array<i32>} : memref<64x128xf32, #tpu.memory_space<vmem>>, vector<16xf32>,
        %get3A_341 = arith.index_cast %add3A_269 : i32 to index
        %get3A_342 = arith.constant 96 : index
        %get3A_343 = tpu.vector_load %arg20[%get3A_341, %get3A_342] {strides = array<i32>} : memref<64x128xf32, #tpu.memory_space<vmem>>, vector<16xf32>,
        %add3A_344 = arith.addf %get3A_340, %get3A_343 : vector<16xf32>
        %mul3A_345 = arith.mulf %add3A_344, %gather3A : vector<16xf32>
        %swap3A_346 = arith.index_cast %add3A_269 : i32 to index
        %swap3A_347 = arith.constant 96 : index
        %swap3A_348 = tpu.vector_load %arg19[%swap3A_346, %swap3A_347] {strides = array<i32>} : memref<64x128xf32, #tpu.memory_space<vmem>>, vector<16xf32>,
        tpu.vector_store %arg19[%swap3A_346, %swap3A_347], %mul3A_345 {strides = array<i32>} : memref<64x128xf32, #tpu.memory_space<vmem>>, vector<16xf32>,
        %get3A_349 = arith.index_cast %add3A_269 : i32 to index
        %get3A_350 = arith.constant 112 : index
        %get3A_351 = tpu.vector_load %arg19[%get3A_349, %get3A_350] {strides = array<i32>} : memref<64x128xf32, #tpu.memory_space<vmem>>, vector<16xf32>,
        %get3A_352 = arith.index_cast %add3A_269 : i32 to index
        %get3A_353 = arith.constant 112 : index
        %get3A_354 = tpu.vector_load %arg20[%get3A_352, %get3A_353] {strides = array<i32>} : memref<64x128xf32, #tpu.memory_space<vmem>>, vector<16xf32>,
        %add3A_355 = arith.addf %get3A_351, %get3A_354 : vector<16xf32>
        %mul3A_356 = arith.mulf %add3A_355, %gather3A : vector<16xf32>
        %swap3A_357 = arith.index_cast %add3A_269 : i32 to index
        %swap3A_358 = arith.constant 112 : index
        %swap3A_359 = tpu.vector_load %arg19[%swap3A_357, %swap3A_358] {strides = array<i32>} : memref<64x128xf32, #tpu.memory_space<vmem>>, vector<16xf32>,
        tpu.vector_store %arg19[%swap3A_357, %swap3A_358], %mul3A_356 {strides = array<i32>} : memref<64x128xf32, #tpu.memory_space<vmem>>, vector<16xf32>,
        %mul3A_360 = arith.constant 2 : i32
        %mul3A_361 = arith.muli %scan3A_264, %mul3A_360 : i32
        %add3A_362 = arith.constant 1 : i32
        %add3A_363 = arith.addi %mul3A_361, %add3A_362 : i32
        %add3A_364 = vector.broadcast %add3A_363 : i32 to vector<16xi32>
        %add3A_365 = arith.addi %broadcast_in_dim3A_1, %add3A_364 : vector<16xi32>
        %gather3A_366 = tpu.vector_load_idx %arg21[%add3A_365] : memref<64xf32, #tpu.memory_space<vmem>>[vector<16xi32>], vector<16xf32>,
        %get3A_367 = arith.index_cast %add3A_363 : i32 to index
        %get3A_368 = arith.constant 0 : index
        %get3A_369 = tpu.vector_load %arg19[%get3A_367, %get3A_368] {strides = array<i32>} : memref<64x128xf32, #tpu.memory_space<vmem>>, vector<16xf32>,
        %get3A_370 = arith.index_cast %add3A_363 : i32 to index
        %get3A_371 = arith.constant 0 : index
        %get3A_372 = tpu.vector_load %arg20[%get3A_370, %get3A_371] {strides = array<i32>} : memref<64x128xf32, #tpu.memory_space<vmem>>, vector<16xf32>,
        %add3A_373 = arith.addf %get3A_369, %get3A_372 : vector<16xf32>
        %mul3A_374 = arith.mulf %add3A_373, %gather3A_366 : vector<16xf32>
        %swap3A_375 = arith.index_cast %add3A_363 : i32 to index
        %swap3A_376 = arith.constant 0 : index
        %swap3A_377 = tpu.vector_load %arg19[%swap3A_375, %swap3A_376] {strides = array<i32>} : memref<64x128xf32, #tpu.memory_space<vmem>>, vector<16xf32>,
        tpu.vector_store %arg19[%swap3A_375, %swap3A_376], %mul3A_374 {strides = array<i32>} : memref<64x128xf32, #tpu.memory_space<vmem>>, vector<16xf32>,
        %get3A_378 = arith.index_cast %add3A_363 : i32 to index
        %get3A_379 = arith.constant 16 : index
        %get3A_380 = tpu.vector_load %arg19[%get3A_378, %get3A_379] {strides = array<i32>} : memref<64x128xf32, #tpu.memory_space<vmem>>, vector<16xf32>,
        %get3A_381 = arith.index_cast %add3A_363 : i32 to index
        %get3A_382 = arith.constant 16 : index
        %get3A_383 = tpu.vector_load %arg20[%get3A_381, %get3A_382] {strides = array<i32>} : memref<64x128xf32, #tpu.memory_space<vmem>>, vector<16xf32>,
        %add3A_384 = arith.addf %get3A_380, %get3A_383 : vector<16xf32>
        %mul3A_385 = arith.mulf %add3A_384, %gather3A_366 : vector<16xf32>
        %swap3A_386 = arith.index_cast %add3A_363 : i32 to index
        %swap3A_387 = arith.constant 16 : index
        %swap3A_388 = tpu.vector_load %arg19[%swap3A_386, %swap3A_387] {strides = array<i32>} : memref<64x128xf32, #tpu.memory_space<vmem>>, vector<16xf32>,
        tpu.vector_store %arg19[%swap3A_386, %swap3A_387], %mul3A_385 {strides = array<i32>} : memref<64x128xf32, #tpu.memory_space<vmem>>, vector<16xf32>,
        %get3A_389 = arith.index_cast %add3A_363 : i32 to index
        %get3A_390 = arith.constant 32 : index
        %get3A_391 = tpu.vector_load %arg19[%get3A_389, %get3A_390] {strides = array<i32>} : memref<64x128xf32, #tpu.memory_space<vmem>>, vector<16xf32>,
        %get3A_392 = arith.index_cast %add3A_363 : i32 to index
        %get3A_393 = arith.constant 32 : index
        %get3A_394 = tpu.vector_load %arg20[%get3A_392, %get3A_393] {strides = array<i32>} : memref<64x128xf32, #tpu.memory_space<vmem>>, vector<16xf32>,
        %add3A_395 = arith.addf %get3A_391, %get3A_394 : vector<16xf32>
        %mul3A_396 = arith.mulf %add3A_395, %gather3A_366 : vector<16xf32>
        %swap3A_397 = arith.index_cast %add3A_363 : i32 to index
        %swap3A_398 = arith.constant 32 : index
        %swap3A_399 = tpu.vector_load %arg19[%swap3A_397, %swap3A_398] {strides = array<i32>} : memref<64x128xf32, #tpu.memory_space<vmem>>, vector<16xf32>,
        tpu.vector_store %arg19[%swap3A_397, %swap3A_398], %mul3A_396 {strides = array<i32>} : memref<64x128xf32, #tpu.memory_space<vmem>>, vector<16xf32>,
        %get3A_400 = arith.index_cast %add3A_363 : i32 to index
        %get3A_401 = arith.constant 48 : index
        %get3A_402 = tpu.vector_load %arg19[%get3A_400, %get3A_401] {strides = array<i32>} : memref<64x128xf32, #tpu.memory_space<vmem>>, vector<16xf32>,
        %get3A_403 = arith.index_cast %add3A_363 : i32 to index
        %get3A_404 = arith.constant 48 : index
        %get3A_405 = tpu.vector_load %arg20[%get3A_403, %get3A_404] {strides = array<i32>} : memref<64x128xf32, #tpu.memory_space<vmem>>, vector<16xf32>,
        %add3A_406 = arith.addf %get3A_402, %get3A_405 : vector<16xf32>
        %mul3A_407 = arith.mulf %add3A_406, %gather3A_366 : vector<16xf32>
        %swap3A_408 = arith.index_cast %add3A_363 : i32 to index
        %swap3A_409 = arith.constant 48 : index
        %swap3A_410 = tpu.vector_load %arg19[%swap3A_408, %swap3A_409] {strides = array<i32>} : memref<64x128xf32, #tpu.memory_space<vmem>>, vector<16xf32>,
        tpu.vector_store %arg19[%swap3A_408, %swap3A_409], %mul3A_407 {strides = array<i32>} : memref<64x128xf32, #tpu.memory_space<vmem>>, vector<16xf32>,
        %get3A_411 = arith.index_cast %add3A_363 : i32 to index
        %get3A_412 = arith.constant 64 : index
        %get3A_413 = tpu.vector_load %arg19[%get3A_411, %get3A_412] {strides = array<i32>} : memref<64x128xf32, #tpu.memory_space<vmem>>, vector<16xf32>,
        %get3A_414 = arith.index_cast %add3A_363 : i32 to index
        %get3A_415 = arith.constant 64 : index
        %get3A_416 = tpu.vector_load %arg20[%get3A_414, %get3A_415] {strides = array<i32>} : memref<64x128xf32, #tpu.memory_space<vmem>>, vector<16xf32>,
        %add3A_417 = arith.addf %get3A_413, %get3A_416 : vector<16xf32>
        %mul3A_418 = arith.mulf %add3A_417, %gather3A_366 : vector<16xf32>
        %swap3A_419 = arith.index_cast %add3A_363 : i32 to index
        %swap3A_420 = arith.constant 64 : index
        %swap3A_421 = tpu.vector_load %arg19[%swap3A_419, %swap3A_420] {strides = array<i32>} : memref<64x128xf32, #tpu.memory_space<vmem>>, vector<16xf32>,
        tpu.vector_store %arg19[%swap3A_419, %swap3A_420], %mul3A_418 {strides = array<i32>} : memref<64x128xf32, #tpu.memory_space<vmem>>, vector<16xf32>,
        %get3A_422 = arith.index_cast %add3A_363 : i32 to index
        %get3A_423 = arith.constant 80 : index
        %get3A_424 = tpu.vector_load %arg19[%get3A_422, %get3A_423] {strides = array<i32>} : memref<64x128xf32, #tpu.memory_space<vmem>>, vector<16xf32>,
        %get3A_425 = arith.index_cast %add3A_363 : i32 to index
        %get3A_426 = arith.constant 80 : index
        %get3A_427 = tpu.vector_load %arg20[%get3A_425, %get3A_426] {strides = array<i32>} : memref<64x128xf32, #tpu.memory_space<vmem>>, vector<16xf32>,
        %add3A_428 = arith.addf %get3A_424, %get3A_427 : vector<16xf32>
        %mul3A_429 = arith.mulf %add3A_428, %gather3A_366 : vector<16xf32>
        %swap3A_430 = arith.index_cast %add3A_363 : i32 to index
        %swap3A_431 = arith.constant 80 : index
        %swap3A_432 = tpu.vector_load %arg19[%swap3A_430, %swap3A_431] {strides = array<i32>} : memref<64x128xf32, #tpu.memory_space<vmem>>, vector<16xf32>,
        tpu.vector_store %arg19[%swap3A_430, %swap3A_431], %mul3A_429 {strides = array<i32>} : memref<64x128xf32, #tpu.memory_space<vmem>>, vector<16xf32>,
        %get3A_433 = arith.index_cast %add3A_363 : i32 to index
        %get3A_434 = arith.constant 96 : index
        %get3A_435 = tpu.vector_load %arg19[%get3A_433, %get3A_434] {strides = array<i32>} : memref<64x128xf32, #tpu.memory_space<vmem>>, vector<16xf32>,
        %get3A_436 = arith.index_cast %add3A_363 : i32 to index
        %get3A_437 = arith.constant 96 : index
        %get3A_438 = tpu.vector_load %arg20[%get3A_436, %get3A_437] {strides = array<i32>} : memref<64x128xf32, #tpu.memory_space<vmem>>, vector<16xf32>,
        %add3A_439 = arith.addf %get3A_435, %get3A_438 : vector<16xf32>
        %mul3A_440 = arith.mulf %add3A_439, %gather3A_366 : vector<16xf32>
        %swap3A_441 = arith.index_cast %add3A_363 : i32 to index
        %swap3A_442 = arith.constant 96 : index
        %swap3A_443 = tpu.vector_load %arg19[%swap3A_441, %swap3A_442] {strides = array<i32>} : memref<64x128xf32, #tpu.memory_space<vmem>>, vector<16xf32>,
        tpu.vector_store %arg19[%swap3A_441, %swap3A_442], %mul3A_440 {strides = array<i32>} : memref<64x128xf32, #tpu.memory_space<vmem>>, vector<16xf32>,
        %get3A_444 = arith.index_cast %add3A_363 : i32 to index
        %get3A_445 = arith.constant 112 : index
        %get3A_446 = tpu.vector_load %arg19[%get3A_444, %get3A_445] {strides = array<i32>} : memref<64x128xf32, #tpu.memory_space<vmem>>, vector<16xf32>,
        %get3A_447 = arith.index_cast %add3A_363 : i32 to index
        %get3A_448 = arith.constant 112 : index
        %get3A_449 = tpu.vector_load %arg20[%get3A_447, %get3A_448] {strides = array<i32>} : memref<64x128xf32, #tpu.memory_space<vmem>>, vector<16xf32>,
        %add3A_450 = arith.addf %get3A_446, %get3A_449 : vector<16xf32>
        %mul3A_451 = arith.mulf %add3A_450, %gather3A_366 : vector<16xf32>
        %swap3A_452 = arith.index_cast %add3A_363 : i32 to index
        %swap3A_453 = arith.constant 112 : index
        %swap3A_454 = tpu.vector_load %arg19[%swap3A_452, %swap3A_453] {strides = array<i32>} : memref<64x128xf32, #tpu.memory_space<vmem>>, vector<16xf32>,
        tpu.vector_store %arg19[%swap3A_452, %swap3A_453], %mul3A_451 {strides = array<i32>} : memref<64x128xf32, #tpu.memory_space<vmem>>, vector<16xf32>,
        %scan3A_455 = arith.constant 0 : i32
        scf.yield %scan3A_455 : i32
      }
      %scan3A_263 = arith.constant 32 : i32
      "tpu.region"() ({
        %run_scoped3A = tpu.sem_alloc : memref<!tpu.dma_semaphore, #tpu.memory_space<semaphore_mem>>
        %dma_start3A_264 = arith.constant 0 : i32
        %dma_start3A_265 = arith.constant 0 : i32
        %dma_start3A_266 = tpu.memref_slice %arg10[%dma_start3A_264, %dma_start3A_265] : memref<10112x128xf32, #tpu.memory_space<vmem_shared>> -> memref<10112x128xf32, #tpu.memory_space<vmem_shared>>
        tpu.enqueue_indirect_dma source(%arg19 : memref<64x128xf32, #tpu.memory_space<vmem>>) target(%dma_start3A_266 : memref<10112x128xf32, #tpu.memory_space<vmem_shared>>) offsets(%arg16 : memref<64xi32, #tpu.memory_space<vmem>>) semaphore(%run_scoped3A : memref<!tpu.dma_semaphore, #tpu.memory_space<semaphore_mem>>) {add = true}
        %dma_wait3A_267 = arith.constant 0 : i32
        %dma_wait3A_268 = arith.constant 0 : i32
        %dma_wait3A_269 = tpu.memref_slice %arg10[%dma_wait3A_267, %dma_wait3A_268] : memref<10112x128xf32, #tpu.memory_space<vmem_shared>> -> memref<10112x128xf32, #tpu.memory_space<vmem_shared>>
        tpu.wait_indirect_dma semaphore(%run_scoped3A : memref<!tpu.dma_semaphore, #tpu.memory_space<semaphore_mem>>) src(%arg19 : memref<64x128xf32, #tpu.memory_space<vmem>>) dst(%dma_wait3A_269 : memref<10112x128xf32, #tpu.memory_space<vmem_shared>>)
        tpu.yield
      }) : () -> ()
      "tpu.region"() ({
        %run_scoped3A = tpu.sem_alloc : memref<!tpu.dma_semaphore, #tpu.memory_space<semaphore_mem>>
        %dma_start3A_264 = arith.constant 0 : i32
        %dma_start3A_265 = arith.constant 0 : i32
        %dma_start3A_266 = tpu.memref_slice %arg10[%dma_start3A_264, %dma_start3A_265] : memref<10112x128xf32, #tpu.memory_space<vmem_shared>> -> memref<10112x128xf32, #tpu.memory_space<vmem_shared>>
        tpu.enqueue_indirect_dma source(%arg19 : memref<64x128xf32, #tpu.memory_space<vmem>>) target(%dma_start3A_266 : memref<10112x128xf32, #tpu.memory_space<vmem_shared>>) offsets(%arg17 : memref<64xi32, #tpu.memory_space<vmem>>) semaphore(%run_scoped3A : memref<!tpu.dma_semaphore, #tpu.memory_space<semaphore_mem>>) {add = true}
        %dma_wait3A_267 = arith.constant 0 : i32
        %dma_wait3A_268 = arith.constant 0 : i32
        %dma_wait3A_269 = tpu.memref_slice %arg10[%dma_wait3A_267, %dma_wait3A_268] : memref<10112x128xf32, #tpu.memory_space<vmem_shared>> -> memref<10112x128xf32, #tpu.memory_space<vmem_shared>>
        tpu.wait_indirect_dma semaphore(%run_scoped3A : memref<!tpu.dma_semaphore, #tpu.memory_space<semaphore_mem>>) src(%arg19 : memref<64x128xf32, #tpu.memory_space<vmem>>) dst(%dma_wait3A_269 : memref<10112x128xf32, #tpu.memory_space<vmem_shared>>)
        tpu.yield
      }) : () -> ()
    }
    %scan3A_30 = arith.constant 79 : i32
    %dma_wait3A_31 = arith.constant 0 : i32
    %dma_wait3A_32 = arith.constant 0 : i32
    %dma_wait3A_33 = tpu.memref_slice %arg2[%dma_wait3A_31, %dma_wait3A_32] : memref<10000x128xf32, #tpu.memory_space<hbm>> -> memref<10000x128xf32, #tpu.memory_space<hbm>>
    tpu.wait_indirect_dma semaphore(%arg24 : memref<!tpu.dma_semaphore, #tpu.memory_space<semaphore_mem>>) src(%dma_wait3A_33 : memref<10000x128xf32, #tpu.memory_space<hbm>>) dst(%arg14 : memref<64x128xf32, #tpu.memory_space<vmem>>)
    %dma_wait3A_34 = arith.constant 0 : i32
    %dma_wait3A_35 = arith.constant 0 : i32
    %dma_wait3A_36 = tpu.memref_slice %arg2[%dma_wait3A_34, %dma_wait3A_35] : memref<10000x128xf32, #tpu.memory_space<hbm>> -> memref<10000x128xf32, #tpu.memory_space<hbm>>
    tpu.wait_indirect_dma semaphore(%arg25 : memref<!tpu.dma_semaphore, #tpu.memory_space<semaphore_mem>>) src(%dma_wait3A_36 : memref<10000x128xf32, #tpu.memory_space<hbm>>) dst(%arg15 : memref<64x128xf32, #tpu.memory_space<vmem>>)
    %barrier3A_37 = arith.constant 0 : index
    tpu.barrier barrier_id(%barrier3A_37)
    %mul3A_38 = arith.constant 10112 : i32
    %mul3A_39 = arith.muli %arg0, %mul3A_38 : i32
    %add3A_40 = arith.addi %mul3A_39, %mul3A_3 : i32
    "tpu.region"() ({
      %run_scoped3A = tpu.sem_alloc : memref<!tpu.dma_semaphore, #tpu.memory_space<semaphore_mem>>
      %dma_start3A_41 = arith.constant 0 : i32
      %dma_start3A_42 = tpu.memref_slice %arg9[%add3A_40, %dma_start3A_41] : memref<20224x128xf32, #tpu.memory_space<hbm>> -> memref<632x128xf32, #tpu.memory_space<hbm>>
      %dma_start3A_43 = arith.constant 0 : i32
      %dma_start3A_44 = tpu.memref_slice %arg10[%mul3A_3, %dma_start3A_43] : memref<10112x128xf32, #tpu.memory_space<vmem_shared>> -> memref<632x128xf32, #tpu.memory_space<vmem_shared>>
      tpu.enqueue_dma source(%dma_start3A_44 : memref<632x128xf32, #tpu.memory_space<vmem_shared>>) target(%dma_start3A_42 : memref<632x128xf32, #tpu.memory_space<hbm>>) target_semaphore(%run_scoped3A : memref<!tpu.dma_semaphore, #tpu.memory_space<semaphore_mem>>)
      %dma_wait3A_45 = arith.constant 0 : i32
      %dma_wait3A_46 = tpu.memref_slice %arg9[%add3A_40, %dma_wait3A_45] : memref<20224x128xf32, #tpu.memory_space<hbm>> -> memref<632x128xf32, #tpu.memory_space<hbm>>
      %dma_wait3A_47 = arith.constant 0 : i32
      %dma_wait3A_48 = tpu.memref_slice %arg10[%mul3A_3, %dma_wait3A_47] : memref<10112x128xf32, #tpu.memory_space<vmem_shared>> -> memref<632x128xf32, #tpu.memory_space<vmem_shared>>
      tpu.wait_dma2 semaphore(%run_scoped3A : memref<!tpu.dma_semaphore, #tpu.memory_space<semaphore_mem>>) src(%dma_wait3A_48 : memref<632x128xf32, #tpu.memory_space<vmem_shared>>) dst(%dma_wait3A_46 : memref<632x128xf32, #tpu.memory_space<hbm>>)
      tpu.yield
    }) : () -> ()
    return
  }
}

module attributes {stable_mosaic.version = 14 : i64} {
  func.func @_combine_body(%arg0: i32, %arg1: memref<2000x128xf32, #tpu.memory_space<vmem>>, %arg2: memref<2000x128xf32, #tpu.memory_space<vmem>>, %arg3: memref<2000x128xf32, #tpu.memory_space<vmem>>) attributes {dimension_semantics = [#tpu.dimension_semantics<arbitrary>], iteration_bounds = array<i64: 5>, scalar_prefetch = 0 : i64, scratch_operands = 0 : i64, tpu.core_type = #tpu.core_type<tc>, window_params = [{transform_indices = @transform_0, window_bounds = array<i64: 2000, 128>}, {transform_indices = @transform_1, window_bounds = array<i64: 2000, 128>}, {transform_indices = @transform_2, window_bounds = array<i64: 2000, 128>}]} {
    %get3A = arith.constant 0 : index
    %get3A_0 = arith.constant 0 : index
    %get3A_1 = vector.load %arg1[%get3A, %get3A_0] : memref<2000x128xf32, #tpu.memory_space<vmem>>, vector<2000x128xf32>
    %get3A_2 = arith.constant 0 : index
    %get3A_3 = arith.constant 0 : index
    %get3A_4 = vector.load %arg2[%get3A_2, %get3A_3] : memref<2000x128xf32, #tpu.memory_space<vmem>>, vector<2000x128xf32>
    %add3A = arith.addf %get3A_1, %get3A_4 : vector<2000x128xf32>
    %swap3A = arith.constant 0 : index
    %swap3A_5 = arith.constant 0 : index
    %swap3A_6 = vector.load %arg3[%swap3A, %swap3A_5] : memref<2000x128xf32, #tpu.memory_space<vmem>>, vector<2000x128xf32>
    tpu.vector_store %arg3[%swap3A, %swap3A_5], %add3A {strides = array<i32>} : memref<2000x128xf32, #tpu.memory_space<vmem>>, vector<2000x128xf32>,
    return
  }
  func.func @transform_0(%arg0: i32) -> (i32, i32) {
    %c0_i32 = arith.constant 0 : i32
    %c0_i32_0 = arith.constant 0 : i32
    return %arg0, %c0_i32 : i32, i32
  }
  func.func @transform_1(%arg0: i32) -> (i32, i32) {
    %c0_i32 = arith.constant 0 : i32
    %c0_i32_0 = arith.constant 0 : i32
    return %arg0, %c0_i32 : i32, i32
  }
  func.func @transform_2(%arg0: i32) -> (i32, i32) {
    %c0_i32 = arith.constant 0 : i32
    %c0_i32_0 = arith.constant 0 : i32
    return %arg0, %c0_i32 : i32, i32
  }
}

</mosaic_0001>

<sc_bundles>
// kernel: _twobody_impl.4.cloned.1.call-start
scs
__scs_entry_jumppad:
0x0: {  	(pc) =	sbr.rel $0x88, $3  }
0x1: {  	(tag) =	ssettag $0x0;
	lr =	simm.s32 $0x1  }
0x2: {  	[smem:$0x3F9B] =	sst lr;
	_ =	strace $0xD0000000  }
0x3: {  	_ = 	snop  }
0x4: {  	_ = 	snop  }
0x5: {  	_ = 	snop  }
0x6: {  	_ = 	snop  }
0x7: {  	_ = 	snop  }
__scs_overlays_trampoline_lowered:
0x8: {  	[smem:$0x3FAA] =	sst s0  }
0x9: {  	[smem:$0x3FAB] =	sst s1  }
0xa: {  	[smem:$0x3FAC] =	sst s2  }
0xb: {  	[smem:$0x3FAD] =	sst s3  }
0xc: {  	[smem:$0x3FAE] =	sst s4  }
0xd: {  	[smem:$0x3FAF] =	sst s5  }
0xe: {  	[smem:$0x3FB0] =	sst s6  }
0xf: {  	[smem:$0x3FB1] =	sst s7  }
0x10: {  	[smem:$0x3FB2] =	sst s8  }
0x11: {  	[smem:$0x3FB3] =	sst s9;
	s0 =	simm.s32 @!p0 $0x0  }
0x12: {  	s1 =	sld [smem:$0x3F99];
	s0 =	simm.s32 @p0 $0x1  }
0x13: {  	[smem:$0x3FB4] =	sst s0;
	s0 =	simm.s32 @!p1 $0x0  }
0x14: {  	s2 =	sld [smem:$0x3F98];
	s0 =	simm.s32 @p1 $0x1  }
0x15: {  	[smem:$0x3FB5] =	sst s0;
	s0 =	simm.s32 @!p2 $0x0  }
0x16: {  	s3 =	sld [smem:$0x3FDB];
	s0 =	simm.s32 @p2 $0x1  }
0x17: {  	s4 =	simm.s32 $0x1BF5;
	[smem:$0x3FB7] =	sst s0  }
0x18: {  	s0 =	sld [smem:$0x3F9A];
	_ =	swait.ge [sflag:s4], $0x0  }
0x19: {  	s7 =	sld [smem:$0x3F9B]  }
0x1a: {  	s8 =	sadd.s32 $0xFFFFE003, lr  }
0x1b: {  	s9 =	sadd.s32 $0xFFFFFEF7, lr;
	s5 =	simm.s32 $0xFFFFFFFF;
	p2 =	slt.u32 s8, $0xFFFFF086  }
0x1c: {  	p1 =	slt.u32 s9, $0xF7A;
	s5 =	simm.s32 @!p2 $0x0  }
0x1d: {  	s5 =	simm.s32 @p1 $0x1;
	p0 =	seq.s32 s7, s2  }
0x1e: {  	s7 =	smul.u32 @!p0 $0xF7A, s2;
	p2 =	seq.s32 @!p0 s5, $0x0  }
0x1f: {  	s9 =	smul.u32 $0xF7A, s1;
	s8 =	simm.s32 @!p0 $0x1BF5;
	p2 =	por !p2, p0  }
0x20: {  	[sflag:s8] =	ssyncset.s32 @!p0 $0xFFFFF086;
	s6 =	sadd.s32 @!p0 s3, s7;
	s7 =	simm.s32 @!p0 $0x108  }
0x21: {  	s3 =	sadd.s32 s3, s9;
	s6 =	sadd.s32 @!p0 $0x88, s6;
	s7 =	simm.s32 @p2 $0x1082  }
0x22: {  	[simem:s7], [sflag:s8] =	dma.local @!p0 [hbm:s6], $0xF7A  }
0x23: {  	s9 =	sor.u32 $0xD0000000, s2;
	s6 =	simm.s32 $0x108;
	_ =	swait.ge @!p0 [sflag:s8], $0x0  }
0x24: {  	s3 =	sadd.s32 $0x88, s3;
	s6 =	simm.s32 @!p1 $0x1082;
	[sflag:s4] =	ssyncset.s32 $0xFFFFF086  }
0x25: {  	[simem:s6], [sflag:s4] =	dma.local [hbm:s3], $0xF7A  }
0x26: {  	[smem:$0x3F9B] =	sst s1;
	(tag) =	ssettag s2;
	_ =	strace s9  }
0x27: {  	s1 =	sld [smem:$0x3FAB]  }
0x28: {  	s2 =	sld [smem:$0x3FAC]  }
0x29: {  	s4 =	sld [smem:$0x3FAE]  }
0x2a: {  	p0 =	seq.s32 s5, $0x0;
	s5 =	sld [smem:$0x3FAF]  }
0x2b: {  	s6 =	sld [smem:$0x3FB0]  }
0x2c: {  	s7 =	sld [smem:$0x3FB1]  }
0x2d: {  	s3 =	simm.s32 $0x108;
	s8 =	sld [smem:$0x3FB2]  }
0x2e: {  	s3 =	simm.s32 @!p0 $0x1082;
	s9 =	sld [smem:$0x3FB3]  }
0x2f: {  	lr =	sadd.s32 s0, s3;
	s0 =	sld [smem:$0x3FAA]  }
0x30: {  	s3 =	sld [smem:$0x3FAD]  }
0x31: {  	[smem:$0x3FB6] =	sst s10  }
0x32: {  	s10 =	sld [smem:$0x3FB4];
	_ =	sdelay $0x3  }
0x33: {  	p0 =	seq.s32 s10, $0x1;
	s10 =	sld [smem:$0x3FB6];
	_ =	sdelay $0x3  }
0x34: {  	[smem:$0x3FB6] =	sst s10  }
0x35: {  	s10 =	sld [smem:$0x3FB5];
	_ =	sdelay $0x3  }
0x36: {  	p1 =	seq.s32 s10, $0x1;
	s10 =	sld [smem:$0x3FB6];
	_ =	sdelay $0x3  }
0x37: {  	[smem:$0x3FB6] =	sst s10  }
0x38: {  	s10 =	sld [smem:$0x3FB7]  }
0x39: {  	_ = 	snop;
	(pc) =	sbr.ind lr, $3  }
0x3a: {  	_ = 	snop  }
0x3b: {  	_ = 	snop  }
0x3c: {  	p2 =	seq.s32 s10, $0x1;
	s10 =	sld [smem:$0x3FB6]  }
0x3d: {  	_ =	shalt  }
0x3e: {  	_ =	shalt  }
0x3f: {  	_ =	shalt  }
0x40: {  	_ =	shalt  }
0x41: {  	_ =	shalt  }
0x42: {  	_ =	shalt  }
0x43: {  	_ =	shalt  }
0x44: {  	_ =	shalt  }
0x45: {  	_ =	shalt  }
0x46: {  	_ =	shalt  }
0x47: {  	_ =	shalt  }
0x48: {  	_ =	shalt  }
0x49: {  	_ =	shalt  }
0x4a: {  	_ =	shalt  }
0x4b: {  	_ =	shalt  }
0x4c: {  	_ =	shalt  }
0x4d: {  	_ =	shalt  }
0x4e: {  	_ =	shalt  }
0x4f: {  	_ =	shalt  }
0x50: {  	_ =	shalt  }
0x51: {  	_ =	shalt  }
0x52: {  	_ =	shalt  }
0x53: {  	_ =	shalt  }
0x54: {  	_ =	shalt  }
0x55: {  	_ =	shalt  }
0x56: {  	_ =	shalt  }
0x57: {  	_ =	shalt  }
0x58: {  	_ =	shalt  }
0x59: {  	_ =	shalt  }
0x5a: {  	_ =	shalt  }
0x5b: {  	_ =	shalt  }
0x5c: {  	_ =	shalt  }
0x5d: {  	_ =	shalt  }
0x5e: {  	_ =	shalt  }
0x5f: {  	_ =	shalt  }
0x60: {  	_ =	shalt  }
0x61: {  	_ =	shalt  }
0x62: {  	_ =	shalt  }
0x63: {  	_ =	shalt  }
0x64: {  	_ =	shalt  }
0x65: {  	_ =	shalt  }
0x66: {  	_ =	shalt  }
0x67: {  	_ =	shalt  }
0x68: {  	_ =	shalt  }
0x69: {  	_ =	shalt  }
0x6a: {  	_ =	shalt  }
0x6b: {  	_ =	shalt  }
0x6c: {  	_ =	shalt  }
0x6d: {  	_ =	shalt  }
0x6e: {  	_ =	shalt  }
0x6f: {  	_ =	shalt  }
0x70: {  	_ =	shalt  }
0x71: {  	_ =	shalt  }
0x72: {  	_ =	shalt  }
0x73: {  	_ =	shalt  }
0x74: {  	_ =	shalt  }
0x75: {  	_ =	shalt  }
0x76: {  	_ =	shalt  }
0x77: {  	_ =	shalt  }
0x78: {  	_ =	shalt  }
0x79: {  	_ =	shalt  }
0x7a: {  	_ =	shalt  }
0x7b: {  	_ =	shalt  }
0x7c: {  	_ =	shalt  }
0x7d: {  	_ =	shalt  }
0x7e: {  	_ =	shalt  }
0x7f: {  	_ =	shalt  }
0x80: {  	_ =	shalt  }
0x81: {  	_ =	shalt  }
0x82: {  	_ =	shalt  }
0x83: {  	_ =	shalt  }
0x84: {  	_ =	shalt  }
0x85: {  	_ =	shalt  }
0x86: {  	_ =	shalt  }
0x87: {  	_ =	shalt  }
.Lfunc_end0:
.L_simem_size_0:
called_computation_lowered:
.L_overlay_start_0:
0x88: {  	s2 =	sld [smem:$0x3FD9]  }
0x89: {  	s3 =	sld [smem:$0x3FFE];
	_ =	sdelay $0x1  }
0x8a: {  	s1 =	srdreg.scid  }
0x8b: {  	s0 =	sand.u32 $0x1, s1  }
0x8c: {  	s17 =	sshll.u32 s0, $0xA;
	s2 =	sadd.s32 s3, s2  }
0x8d: {  	s2 =	sadd.s32 s2, s17  }
0x8e: {  	[smem:$0x3FC2] =	sst s2  }
0x8f: {  	_ = 	snop  }
0x90: {  	s2 =	sld [smem:$0x3FC9]  }
0x91: {  	s18 =	sld [smem:$0x3FC8]  }
0x92: {  	s4 =	sld [smem:$0x3FC7]  }
0x93: {  	s5 =	sld [smem:$0x3FC6]  }
0x94: {  	s6 =	sld [smem:$0x3FC5]  }
0x95: {  	s7 =	sld [smem:$0x3FC4]  }
0x96: {  	s8 =	sld [smem:$0x3FD0];
	(tm) =	ssettm $0x1  }
0x97: {  	s9 =	sld [smem:$0x3FFB];
	_ =	sdelay $0x3  }
0x98: {  	_ =	strace s9  }
0x99: {  	s9 =	sld [smem:$0x3FFC];
	_ =	sdelay $0x3  }
0x9a: {  	_ =	strace s9  }
0x9b: {  	s9 =	sld [smem:$0x3FFD];
	_ =	sdelay $0x3  }
0x9c: {  	_ =	strace s9  }
0x9d: {  	_ =	strace $0x8FFFFFFF  }
0x9e: {  	s19 =	sld [smem:$0x3FDB];
	_ =	sdelay $0x1  }
0x9f: {  	s10 =	simm.s32 $_scs_section_size  }
0xa0: {  	s11 =	simm.s32 $_size__tile_overlayer_lowered;
	s12 =	simm.s32 $_tile_overlayer_lowered  }
0xa1: {  	s22 =	simm.s32 $0x1BFF;
	s21 =	sshll.u32 s12, $0x1;
	s9 =	sadd.s32 s10, s19  }
0xa2: {  	s13 =	simm.s32 $0x0;
	s20 =	sshll.u32 s11, $0x1;
	s11 =	sadd.s32 s21, s9  }
0xa3: {  	[timem:s13], [sflag:s22] =	dma.local [hbm:s11], s20  }
0xa4: {  	_ =	swait.ge [sflag:s22], s20  }
0xa5: {  	s10 =	ssub.s32 $0x0, s20;
	[sflag:s22] =	ssyncset.done $0x0  }
0xa6: {  	[sflag:s22] =	ssyncadd.s32 s10;
	_ =	sdelay $0x1  }
0xa7: {  	s23 =	simm.s32 $0x1B8B  }
0xa8: {  	_ =	swait.ge [sflag:s23], $0x1  }
0xa9: {  	[sflag:s23] =	ssyncset.done $0x0  }
0xaa: {  	s25 =	simm.s32 $0x1B8E;
	s24 =	sld [smem:$0x3FFE];
	[sflag:s23] =	ssyncadd.s32 $0xFFFFFFFF  }
0xab: {  	s26 =	simm.s32 $execute0_lowered;
	[smem:$0x3FD2] =	sst s25  }
0xac: {  	s11 =	sshll.u32 s26, $0x1;
	_ =	strace $0x80000046;
	[dreg:$0x1] =	wrdreg $0xFFFFFFFF  }
0xad: {  	s28 =	simm.s32 $_size_execute0_lowered;
	s9 =	sadd.s32 s9, s11;
	[dreg:$0x0] =	wrdreg $0x0  }
0xae: {  	s11 =	sshll.u32 s28, $0x1;
	[dreg:$0x2] =	wrdreg s9  }
0xaf: {  	[dreg:$0x3] =	wrdreg s11  }
0xb0: {  	[dreg:$0x4] =	wrdreg $0xC0  }
0xb1: {  	_ =	task [dreg:s13], $0x5FFFF  }
0xb2: {  	[dreg:$0x1] =	wrdreg $0xFFFFFFFF  }
0xb3: {  	[dreg:$0x0] =	wrdreg $0x60  }
0xb4: {  	[dreg:$0x2] =	wrdreg s2  }
0xb5: {  	[dreg:$0x3] =	wrdreg s18  }
0xb6: {  	[dreg:$0x4] =	wrdreg s4  }
0xb7: {  	[dreg:$0x5] =	wrdreg s5  }
0xb8: {  	[dreg:$0x6] =	wrdreg s6  }
0xb9: {  	[dreg:$0x7] =	wrdreg s7  }
0xba: {  	[dreg:$0x8] =	wrdreg s8  }
0xbb: {  	[dreg:$0x9] =	wrdreg s24  }
0xbc: {  	[dreg:$0xa] =	wrdreg $0x0  }
0xbd: {  	[dreg:$0xb] =	wrdreg $0x9  }
0xbe: {  	_ =	task.clear_ibuf [dreg:s13], $0xCFFFF;
	_ =	strace $0x90000046  }
0xbf: {  	s29 =	simm.s32 $0x9;
	_ =	strace $0x80000048  }
0xc0: {  	_ =	swait.ge [sflag:s29], $0x1  }
0xc1: {  	[sflag:s29] =	ssyncadd.s32 $0xFFFFFFFF  }
0xc2: {  	_ =	strace $0x90000048  }
0xc3: {  	_ =	sfence  }
0xc4: {  	s30 =	sld [smem:$0x0];
	_ =	sdelay $0x2  }
0xc5: {  	s31 =	sshll.u32 s1, $0xD;
	s1 =	sshrl.u32 s1, $0x2  }
0xc6: {  	s3 =	sand.u32 $0x4000, s31;
	s1 =	sadd.s32 s1, s30  }
0xc7: {  	s0 =	sor.u32 s3, s0;
	s1 =	sshll.u32 s1, $0x11  }
0xc8: {  	s0 =	sor.u32 s1, s0  }
0xc9: {  	s0 =	sadd.s32 $0x8F2B, s0  }
0xca: {  	[sflag:s0] =	ssyncadd.remote.s32 $0x1  }
0xcb: {  	_ =	sfence.sel $0xFFFF  }
0xcc: {  	[dreg:$0x0] =	wrdreg $0xFFFFFFFF;
	(pc) =	sbr.abs _section_cstart, $3  }
0xcd: {  	[dreg:$0x1] =	wrdreg $0xFFFFFFFF  }
0xce: {  	_ =	task.clear_ibuf [dreg:s13], $0x2FFFF;
	_ =	strace $0x9FFFFFFF  }
0xcf: {  	(tm) =	ssettm $0x7FFFFFFF  }
tec
execute0_lowered:
.L_overlay_start_1:
0x0: {  	(tag) =	ssettag $0x1  }
0x1: {  	s0 =	rddreg [dreg:$0x0]  }
0x2: {  	s1 =	rddreg [dreg:$0x1]  }
0x3: {  	s2 =	rddreg [dreg:$0x2]  }
0x4: {  	s3 =	rddreg [dreg:$0x3]  }
0x5: {  	s4 =	rddreg [dreg:$0x7]  }
0x6: {  	s9 =	rddreg [dreg:$0x8]  }
0x7: {  	s5 =	srdreg.scid;
	s11 =	stileid.u32;
	s10 =	simm.s32 $0x0  }
0x8: {  	s28 =	simm.s32 $0x40;
	s29 =	simm.s32 $0x13D80;
	s30 =	simm.s32 $0x15D80  }
0x9: {  	s31 =	simm.s32 $0x17D80;
	s18 =	simm.s32 $0x1;
	s12 =	simm.s32 $0x3  }
0xa: {  	s13 =	simm.s32 $0x4;
	s5 =	sand.u32 $0x1, s5;
	s6 =	smul.u32 $0x2780, s11  }
0xb: {  	[smem:$0x7FF] =	sst s10;
	s19 =	smul.u32 $0x4F000, s11;
	s26 =	sshll.u32 s11, $0x6  }
0xc: {  	s7 =	smul.u32 $0x27800, s5;
	s8 =	sshll.u32 s5, $0x4;
	s5 =	ssub.s32 $0x2, s5  }
0xd: {  	_ =	strace $0x80000047;
	s16 =	sor.u32 $0x1C07, s26;
	s26 =	simm.s32 $0x5  }
0xe: {  	s8 =	sor.u32 s11, s8;
	s21 =	sshrl.u32 s5, $0x1;
	s22 =	sshrl.u32 s19, $0x2  }
0xf: {  	s19 =	simm.s32 $0x7;
	s11 =	simm.s32 $0x1BF00;
	[dreg:$0xf] =	wrdreg s16  }
0x10: {  	s6 =	sadd.s32 s6, s7;
	s20 =	smul.u32 $0x2780, s8;
	s5 =	ssub.s32 s5, s21  }
0x11: {  	s4 =	sadd.s32 s6, s4;
	s6 =	sadd.s32 s22, s9;
	s25 =	smax.u32 s5, $0x1  }
0x12: {  	s5 =	simm.s32 $0x17E00;
	s4 =	sadd.s32 $0x600, s4;
	[dreg:$0xe] =	wrdreg s25  }
0x13: {  	s8 =	sshrl.u32 s20, $0x3;
	s17 =	sshrl.u32 s6, $0x3;
	[dreg:$0xd] =	wrdreg s4  }
0x14: {  	s14 =	sor.u32 $0x40, s20;
	s23 =	sadd.s32 s1, s8;
	[dreg:$0x10] =	wrdreg s17  }
0x15: {  	s15 =	sadd.s32 $0x80, s20;
	s24 =	sadd.s32 s2, s8;
	[dreg:$0xa] =	wrdreg s23  }
0x16: {  	s6 =	simm.s32 $0x17F00;
	s8 =	sadd.s32 s3, s8;
	[dreg:$0xb] =	wrdreg s24  }
0x17: {  	s20 =	simm.s32 $0x2;
	s4 =	simm.s32 $0x6;
	[dreg:$0xc] =	wrdreg s8  }
0x18: {  	s23 =	simm.s32 $0x13C00;
	s24 =	simm.s32 $0x13C80;
	s8 =	simm.s32 $0x0  }
.LBB2_1:
0x19: {  	[dreg:$0x11] =	wrdreg s8  }
0x1a: {  	s7 =	rddreg [dreg:$0x4];
	s8 =	simm.s32 $0x0;
	s10 =	simm.s32 $0x1BF80  }
0x1b: {  	[tilespmem:s10], [sflag:$0x7] =	stream.linear.gather [hbm4b:s7+s8], $0x80, $0x38;
	[tilespmem:$0x1C080] =	vst v63  }
0x1c: {  	_ =	swait.ge [sflag:s19], $0x80  }
0x1d: {  	[sflag:s19] =	ssyncset.done $0x0  }
0x1e: {  	[sflag:s19] =	ssyncadd.s32 $0xFFFFFF80  }
0x1f: {  	s25 =	simm.s32 $0x1C000;
	s22 =	rddreg [dreg:$0x5]  }
0x20: {  	[tilespmem:s25], [sflag:$0x7] =	stream.linear.gather [hbm4b:s22+s8], $0x80, $0x38;
	[tilespmem:$0x1C080] =	vst v63  }
0x21: {  	_ =	swait.ge [sflag:s19], $0x80  }
0x22: {  	[sflag:s19] =	ssyncset.done $0x0  }
0x23: {  	[sflag:s19] =	ssyncadd.s32 $0xFFFFFF80  }
0x24: {  	s10 =	rddreg [dreg:$0x6]  }
0x25: {  	[spmem:s17], [sflag:s16] =	dma.local [hbm:s10], $0x2780  }
0x26: {  	_ =	swait.ge [sflag:s19], $0x2780  }
0x27: {  	[sflag:s19] =	ssyncset.done $0x0  }
0x28: {  	[sflag:s19] =	ssyncadd.s32 $0xFFFFD880  }
0x29: {  	[bflag:$0x0] =	sbarrier.arrive $0xFFFF  }
0x2a: {  	s17 =	rddreg [dreg:$0xa]  }
0x2b: {  	[tilespmem:s23], [sflag:$0x5] =	stream.linear.gather [hbm4b:s17+s8], $0x40, $0x38;
	[tilespmem:$0x1C080] =	vst v63  }
0x2c: {  	s21 =	rddreg [dreg:$0xb]  }
0x2d: {  	[tilespmem:s24], [sflag:$0x5] =	stream.linear.gather [hbm4b:s21+s8], $0x40, $0x38;
	[tilespmem:$0x1C080] =	vst v63  }
0x2e: {  	s25 =	simm.s32 $0x13D00;
	s22 =	rddreg [dreg:$0xc]  }
0x2f: {  	[tilespmem:s25], [sflag:$0x5] =	stream.linear.gather [hbm4b:s22+s8], $0x40, $0x38;
	[tilespmem:$0x1C080] =	vst v63  }
0x30: {  	_ =	swait.ge [sflag:s26], $0x40  }
0x31: {  	[sflag:s26] =	ssyncset.done $0x0  }
0x32: {  	[sflag:s26] =	ssyncadd.s32 $0xFFFFFFC0  }
0x33: {  	_ =	swait.ge [sflag:s26], $0x40  }
0x34: {  	[sflag:s26] =	ssyncset.done $0x0  }
0x35: {  	[sflag:s26] =	ssyncadd.s32 $0xFFFFFFC0  }
0x36: {  	_ =	swait.ge [sflag:s26], $0x40  }
0x37: {  	[sflag:s26] =	ssyncset.done $0x0  }
0x38: {  	[sflag:s26] =	ssyncadd.s32 $0xFFFFFFC0  }
0x39: {  	[tilespmem:s29], [sflag:$0x1] =	stream.indirect.gather [hbm4b:s0+s28], $0x80, s23, s28, $0xb8;
	[tilespmem:$0x1C080] =	vst v63  }
0x3a: {  	_ = 	snop  }
0x3b: {  	[tilespmem:s30], [sflag:$0x2] =	stream.indirect.gather [hbm4b:s0+s28], $0x80, s24, s28, $0xb8;
	[tilespmem:$0x1C080] =	vst v63  }
0x3c: {  	v0 =	vld [tilespmem:$0x1BF80]  }
0x3d: {  	s17 =	simm.s32 $0x0;
	v1 =	vld [tilespmem:$0x1C000]  }
.LBB2_2:
0x3e: {  	s7 =	sshll.u32 s17, $0x7  }
0x3f: {  	s7 =	sadd.s32 s7, s14  }
0x40: {  	s8 =	sshrl.u32 s7, $0x3  }
0x41: {  	s25 =	simm.s32 $0x0;
	s10 =	sadd.s32 s1, s8  }
0x42: {  	[tilespmem:s31], [sflag:$0x6] =	stream.linear.gather [hbm4b:s10+s25], $0x40, $0x38;
	[tilespmem:$0x1C080] =	vst v63  }
0x43: {  	s16 =	sadd.s32 s2, s8  }
0x44: {  	[tilespmem:s5], [sflag:$0x6] =	stream.linear.gather [hbm4b:s16+s25], $0x40, $0x38;
	[tilespmem:$0x1C080] =	vst v63  }
0x45: {  	s21 =	simm.s32 $0x17E80;
	s8 =	sadd.s32 s3, s8  }
0x46: {  	[tilespmem:s21], [sflag:$0x6] =	stream.linear.gather [hbm4b:s8+s25], $0x40, $0x38;
	[tilespmem:$0x1C080] =	vst v63  }
0x47: {  	_ =	swait.ge [sflag:s4], $0x40  }
0x48: {  	[sflag:s4] =	ssyncset.done $0x0  }
0x49: {  	[sflag:s4] =	ssyncadd.s32 $0xFFFFFFC0  }
0x4a: {  	_ =	swait.ge [sflag:s4], $0x40  }
0x4b: {  	[sflag:s4] =	ssyncset.done $0x0  }
0x4c: {  	[sflag:s4] =	ssyncadd.s32 $0xFFFFFFC0  }
0x4d: {  	_ =	swait.ge [sflag:s4], $0x40  }
0x4e: {  	[sflag:s4] =	ssyncset.done $0x0  }
0x4f: {  	[sflag:s4] =	ssyncadd.s32 $0xFFFFFFC0  }
0x50: {  	[tilespmem:s6], [sflag:$0x3] =	stream.indirect.gather [hbm4b:s0+s28], $0x80, s31, s28, $0xb8;
	[tilespmem:$0x1C080] =	vst v63  }
0x51: {  	s22 =	simm.s32 $0x19F00  }
0x52: {  	[tilespmem:s22], [sflag:$0x4] =	stream.indirect.gather [hbm4b:s0+s28], $0x80, s5, s28, $0xb8;
	[tilespmem:$0x1C080] =	vst v63  }
0x53: {  	_ =	swait.ge [sflag:s18], $0x2000  }
0x54: {  	[sflag:s18] =	ssyncset.done $0x0  }
0x55: {  	[sflag:s18] =	ssyncadd.s32 $0xFFFFE000  }
0x56: {  	_ =	swait.ge [sflag:s20], $0x2000  }
0x57: {  	[sflag:s20] =	ssyncset.done $0x0  }
0x58: {  	[sflag:s20] =	ssyncadd.s32 $0xFFFFE000  }
0x59: {  	v2 =	vld [tilespmem:$0x13D00];
	_ =	sdelay $0x4  }
0x5a: {  	v2 =	vsub.f32 v2, v0;
	_ =	sdelay $0x1  }
0x5b: {  	v3 =	vmul.f32 v2, v1  }
0x5c: {  	vm0 =	vlt.f32 v2, $0.0e+00  }
0x5d: {  	v2 =	vnsel vm0, $0x3F800000, v3  }
0x5e: {  	(erf) = vrcp.f32 v2;
	_ =	sdelay $0x2  }
0x5f: {  	v2 =	vld [tilespmem:$0x13D10];
	_ =	sdelay $0x4  }
0x60: {  	v2 =	vsub.f32 v2, v0  }
0x61: {  	v3 =	vpop (erf)  }
0x62: {  	v4 =	vmul.f32 v2, v1;
	v3 =	vmul.f32 $-1.442695020e+00, v3  }
0x63: {  	vm1 =	vlt.f32 v2, $0.0e+00  }
0x64: {  	v2 =	vnsel vm1, $0x3F800000, v4;
	(erf) = vpow2.f32 v3  }
0x65: {  	(erf) = vrcp.f32 v2;
	_ =	sdelay $0x2  }
0x66: {  	v2 =	vld [tilespmem:$0x13D20];
	_ =	sdelay $0x4  }
0x67: {  	v2 =	vsub.f32 v2, v0;
	v3 =	vpop (erf)  }
0x68: {  	v4 =	vpop (erf)  }
0x69: {  	v5 =	vmul.f32 v2, v1;
	v4 =	vmul.f32 $-1.442695020e+00, v4  }
0x6a: {  	vm2 =	vlt.f32 v2, $0.0e+00  }
0x6b: {  	v2 =	vnsel vm2, $0x3F800000, v5;
	(erf) = vpow2.f32 v4  }
0x6c: {  	(erf) = vrcp.f32 v2;
	_ =	sdelay $0x2  }
0x6d: {  	v2 =	vld [tilespmem:$0x13D30];
	_ =	sdelay $0x4  }
0x6e: {  	v2 =	vsub.f32 v2, v0;
	v4 =	vpop (erf)  }
0x6f: {  	v5 =	vpop (erf)  }
0x70: {  	v6 =	vmul.f32 v2, v1;
	v5 =	vmul.f32 $-1.442695020e+00, v5  }
0x71: {  	vm3 =	vlt.f32 v2, $0.0e+00  }
0x72: {  	v2 =	vnsel vm3, $0x3F800000, v6;
	(erf) = vpow2.f32 v5  }
0x73: {  	(erf) = vrcp.f32 v2;
	_ =	sdelay $0x7  }
0x74: {  	v2 =	vpop (erf)  }
0x75: {  	v5 =	vpop (erf)  }
0x76: {  	v5 =	vmul.f32 $-1.442695020e+00, v5;
	_ =	sdelay $0x1  }
0x77: {  	(erf) = vpow2.f32 v5;
	_ =	sdelay $0x5  }
0x78: {  	v4 =	vnsel vm1, $0x0, v4  }
0x79: {  	v3 =	vnsel vm0, $0x0, v3;
	v5 =	vmov s25  }
0x7a: {  	[tilespmem:$0x1BF00] =	vst v3;
	v3 =	vand.u32 $0xFFFFFFFE, v5  }
0x7b: {  	[tilespmem:$0x1BF10] =	vst v4;
	v2 =	vnsel vm2, $0x0, v2;
	v3 =	vbroadcast v3, $0x0;
	v4 =	vpop (erf)  }
0x7c: {  	[tilespmem:$0x1BF20] =	vst v2;
	v2 =	vnsel vm3, $0x0, v4  }
0x7d: {  	s22 =	simm.s32 $0x13E00;
	[tilespmem:$0x1BF30] =	vst v2  }
0x7e: {  	s21 =	simm.s32 $0x15E00;
	v2 =	vld [tilespmem:s22+$0xFFFFFF80]  }
0x7f: {  	v4 =	vld [tilespmem:s21+$0xFFFFFF80];
	_ =	sdelay $0x1  }
0x80: {  	v3 =	vld.idx.msk [tilespmem:v3+s11+$0x0], $0xffff;
	_ =	sdelay $0x2  }
0x81: {  	v2 =	vadd.f32 v4, v2;
	_ =	sdelay $0x1  }
0x82: {  	v2 =	vmul.f32 v2, v3;
	_ =	sdelay $0x1  }
0x83: {  	[tilespmem:s22+$0xFFFFFF80] =	vst v2;
	v2 =	vld [tilespmem:s22+$0xFFFFFF90]  }
0x84: {  	v4 =	vld [tilespmem:s21+$0xFFFFFF90];
	_ =	sdelay $0x4  }
0x85: {  	v2 =	vadd.f32 v4, v2;
	_ =	sdelay $0x1  }
0x86: {  	v2 =	vmul.f32 v2, v3;
	_ =	sdelay $0x1  }
0x87: {  	[tilespmem:s22+$0xFFFFFF90] =	vst v2;
	v2 =	vld [tilespmem:s22+$0xFFFFFFA0]  }
0x88: {  	v4 =	vld [tilespmem:s21+$0xFFFFFFA0];
	_ =	sdelay $0x4  }
0x89: {  	v2 =	vadd.f32 v4, v2;
	_ =	sdelay $0x1  }
0x8a: {  	v2 =	vmul.f32 v2, v3;
	_ =	sdelay $0x1  }
0x8b: {  	[tilespmem:s22+$0xFFFFFFA0] =	vst v2;
	v2 =	vld [tilespmem:s22+$0xFFFFFFB0]  }
0x8c: {  	v4 =	vld [tilespmem:s21+$0xFFFFFFB0];
	_ =	sdelay $0x4  }
0x8d: {  	v2 =	vadd.f32 v4, v2;
	_ =	sdelay $0x1  }
0x8e: {  	v2 =	vmul.f32 v2, v3;
	_ =	sdelay $0x1  }
0x8f: {  	[tilespmem:s22+$0xFFFFFFB0] =	vst v2;
	v2 =	vld [tilespmem:s22+$0xFFFFFFC0]  }
0x90: {  	v4 =	vld [tilespmem:s21+$0xFFFFFFC0];
	_ =	sdelay $0x4  }
0x91: {  	v2 =	vadd.f32 v4, v2;
	_ =	sdelay $0x1  }
0x92: {  	v2 =	vmul.f32 v2, v3;
	_ =	sdelay $0x1  }
0x93: {  	[tilespmem:s22+$0xFFFFFFC0] =	vst v2;
	v2 =	vld [tilespmem:s22+$0xFFFFFFD0]  }
0x94: {  	v4 =	vld [tilespmem:s21+$0xFFFFFFD0];
	_ =	sdelay $0x4  }
0x95: {  	v2 =	vadd.f32 v4, v2;
	_ =	sdelay $0x1  }
0x96: {  	v2 =	vmul.f32 v2, v3;
	_ =	sdelay $0x1  }
0x97: {  	[tilespmem:s22+$0xFFFFFFD0] =	vst v2;
	v2 =	vld [tilespmem:s22+$0xFFFFFFE0]  }
0x98: {  	v4 =	vld [tilespmem:s21+$0xFFFFFFE0];
	_ =	sdelay $0x4  }
0x99: {  	v2 =	vadd.f32 v4, v2;
	_ =	sdelay $0x1  }
0x9a: {  	v2 =	vmul.f32 v2, v3;
	_ =	sdelay $0x1  }
0x9b: {  	[tilespmem:s22+$0xFFFFFFE0] =	vst v2;
	v2 =	vld [tilespmem:s22+$0xFFFFFFF0]  }
0x9c: {  	v4 =	vld [tilespmem:s21+$0xFFFFFFF0];
	_ =	sdelay $0x4  }
0x9d: {  	v2 =	vadd.f32 v4, v2  }
0x9e: {  	s25 =	simm.s32 $0x1  }
0x9f: {  	v2 =	vmul.f32 v2, v3;
	v3 =	vmov s25;
	_ =	sdelay $0x1  }
0xa0: {  	[tilespmem:s22+$0xFFFFFFF0] =	vst v2;
	v2 =	vld [tilespmem:s22+$0x0]  }
0xa1: {  	v4 =	vld [tilespmem:s21+$0x0];
	_ =	sdelay $0x1  }
0xa2: {  	v3 =	vld.idx.msk [tilespmem:v3+s11+$0x0], $0xffff;
	_ =	sdelay $0x2  }
0xa3: {  	v2 =	vadd.f32 v4, v2;
	_ =	sdelay $0x1  }
0xa4: {  	v2 =	vmul.f32 v2, v3;
	_ =	sdelay $0x1  }
0xa5: {  	[tilespmem:s22+$0x0] =	vst v2;
	v2 =	vld [tilespmem:s22+$0x10]  }
0xa6: {  	v4 =	vld [tilespmem:s21+$0x10];
	_ =	sdelay $0x4  }
0xa7: {  	v2 =	vadd.f32 v4, v2;
	_ =	sdelay $0x1  }
0xa8: {  	v2 =	vmul.f32 v2, v3;
	_ =	sdelay $0x1  }
0xa9: {  	[tilespmem:s22+$0x10] =	vst v2;
	v2 =	vld [tilespmem:s22+$0x20]  }
0xaa: {  	v4 =	vld [tilespmem:s21+$0x20];
	_ =	sdelay $0x4  }
0xab: {  	v2 =	vadd.f32 v4, v2;
	_ =	sdelay $0x1  }
0xac: {  	v2 =	vmul.f32 v2, v3;
	_ =	sdelay $0x1  }
0xad: {  	[tilespmem:s22+$0x20] =	vst v2;
	v2 =	vld [tilespmem:s22+$0x30]  }
0xae: {  	v4 =	vld [tilespmem:s21+$0x30];
	_ =	sdelay $0x4  }
0xaf: {  	v2 =	vadd.f32 v4, v2;
	_ =	sdelay $0x1  }
0xb0: {  	v2 =	vmul.f32 v2, v3;
	_ =	sdelay $0x1  }
0xb1: {  	[tilespmem:s22+$0x30] =	vst v2;
	v2 =	vld [tilespmem:s22+$0x40]  }
0xb2: {  	v4 =	vld [tilespmem:s21+$0x40];
	_ =	sdelay $0x4  }
0xb3: {  	v2 =	vadd.f32 v4, v2;
	_ =	sdelay $0x1  }
0xb4: {  	v2 =	vmul.f32 v2, v3;
	_ =	sdelay $0x1  }
0xb5: {  	[tilespmem:s22+$0x40] =	vst v2;
	v2 =	vld [tilespmem:s22+$0x50]  }
0xb6: {  	v4 =	vld [tilespmem:s21+$0x50];
	_ =	sdelay $0x4  }
0xb7: {  	v2 =	vadd.f32 v4, v2;
	_ =	sdelay $0x1  }
0xb8: {  	v2 =	vmul.f32 v2, v3;
	_ =	sdelay $0x1  }
0xb9: {  	[tilespmem:s22+$0x50] =	vst v2;
	v2 =	vld [tilespmem:s22+$0x60]  }
0xba: {  	v4 =	vld [tilespmem:s21+$0x60];
	_ =	sdelay $0x4  }
0xbb: {  	v2 =	vadd.f32 v4, v2;
	_ =	sdelay $0x1  }
0xbc: {  	v2 =	vmul.f32 v2, v3;
	_ =	sdelay $0x1  }
0xbd: {  	[tilespmem:s22+$0x60] =	vst v2;
	v2 =	vld [tilespmem:s22+$0x70]  }
0xbe: {  	v4 =	vld [tilespmem:s21+$0x70];
	_ =	sdelay $0x2  }
0xbf: {  	s16 =	simm.s32 $0x2  }
0xc0: {  	v5 =	vmov s16  }
0xc1: {  	v4 =	vadd.f32 v4, v2;
	v2 =	vand.u32 $0xFFFFFFFE, v5  }
0xc2: {  	v2 =	vbroadcast v2, $0x0;
	_ =	sdelay $0x1  }
0xc3: {  	s7 =	simm.s32 $0x4;
	s10 =	simm.s32 $0x13F00;
	v3 =	vmul.f32 v4, v3  }
.LBB2_3:
0xc4: {  	p0 =	sne.s32 s7, $0x3E;
	s21 =	sadd.s32 $0x100, s21  }
0xc5: {  	v4 =	vld [tilespmem:s10+$0xFFFFFF80];
	[tilespmem:s22+$0x70] =	vst v3;
	s8 =	smov.u32 s7;
	s7 =	sadd.s32 $0x2, s7;
	s22 =	smov.u32 s10  }
0xc6: {  	v3 =	vld [tilespmem:s21+$0xFFFFFF80]  }
0xc7: {  	v2 =	vld.idx.msk [tilespmem:v2+s11+$0x0], $0xffff;
	_ =	sdelay $0x3  }
0xc8: {  	v3 =	vadd.f32 v3, v4;
	_ =	sdelay $0x1  }
0xc9: {  	v3 =	vmul.f32 v3, v2;
	_ =	sdelay $0x1  }
0xca: {  	[tilespmem:s10+$0xFFFFFF80] =	vst v3;
	v3 =	vld [tilespmem:s10+$0xFFFFFF90]  }
0xcb: {  	v4 =	vld [tilespmem:s21+$0xFFFFFF90];
	_ =	sdelay $0x4  }
0xcc: {  	v3 =	vadd.f32 v4, v3;
	_ =	sdelay $0x1  }
0xcd: {  	v3 =	vmul.f32 v3, v2;
	_ =	sdelay $0x1  }
0xce: {  	[tilespmem:s10+$0xFFFFFF90] =	vst v3;
	v3 =	vld [tilespmem:s10+$0xFFFFFFA0]  }
0xcf: {  	v4 =	vld [tilespmem:s21+$0xFFFFFFA0];
	_ =	sdelay $0x4  }
0xd0: {  	v3 =	vadd.f32 v4, v3;
	_ =	sdelay $0x1  }
0xd1: {  	v3 =	vmul.f32 v3, v2;
	_ =	sdelay $0x1  }
0xd2: {  	[tilespmem:s10+$0xFFFFFFA0] =	vst v3;
	v3 =	vld [tilespmem:s10+$0xFFFFFFB0]  }
0xd3: {  	v4 =	vld [tilespmem:s21+$0xFFFFFFB0];
	_ =	sdelay $0x4  }
0xd4: {  	v3 =	vadd.f32 v4, v3;
	_ =	sdelay $0x1  }
0xd5: {  	v3 =	vmul.f32 v3, v2;
	_ =	sdelay $0x1  }
0xd6: {  	[tilespmem:s10+$0xFFFFFFB0] =	vst v3;
	v3 =	vld [tilespmem:s10+$0xFFFFFFC0]  }
0xd7: {  	v4 =	vld [tilespmem:s21+$0xFFFFFFC0];
	_ =	sdelay $0x4  }
0xd8: {  	v3 =	vadd.f32 v4, v3;
	_ =	sdelay $0x1  }
0xd9: {  	v3 =	vmul.f32 v3, v2;
	_ =	sdelay $0x1  }
0xda: {  	[tilespmem:s10+$0xFFFFFFC0] =	vst v3;
	v3 =	vld [tilespmem:s10+$0xFFFFFFD0]  }
0xdb: {  	v4 =	vld [tilespmem:s21+$0xFFFFFFD0];
	_ =	sdelay $0x4  }
0xdc: {  	v3 =	vadd.f32 v4, v3;
	_ =	sdelay $0x1  }
0xdd: {  	v3 =	vmul.f32 v3, v2;
	_ =	sdelay $0x1  }
0xde: {  	[tilespmem:s10+$0xFFFFFFD0] =	vst v3;
	v3 =	vld [tilespmem:s10+$0xFFFFFFE0]  }
0xdf: {  	v4 =	vld [tilespmem:s21+$0xFFFFFFE0];
	_ =	sdelay $0x4  }
0xe0: {  	v3 =	vadd.f32 v4, v3;
	_ =	sdelay $0x1  }
0xe1: {  	v3 =	vmul.f32 v3, v2;
	_ =	sdelay $0x1  }
0xe2: {  	[tilespmem:s10+$0xFFFFFFE0] =	vst v3;
	v3 =	vld [tilespmem:s10+$0xFFFFFFF0]  }
0xe3: {  	v4 =	vld [tilespmem:s21+$0xFFFFFFF0];
	_ =	sdelay $0x4  }
0xe4: {  	s25 =	sadd.s32 $0x1, s16;
	s16 =	smov.u32 s8;
	v3 =	vadd.f32 v4, v3  }
0xe5: {  	v4 =	vmov s25  }
0xe6: {  	v2 =	vmul.f32 v3, v2;
	_ =	sdelay $0x1  }
0xe7: {  	[tilespmem:s10+$0xFFFFFFF0] =	vst v2;
	v2 =	vld [tilespmem:s10+$0x0]  }
0xe8: {  	v3 =	vld [tilespmem:s21+$0x0]  }
0xe9: {  	v4 =	vld.idx.msk [tilespmem:v4+s11+$0x0], $0xffff;
	_ =	sdelay $0x3  }
0xea: {  	v2 =	vadd.f32 v3, v2;
	_ =	sdelay $0x1  }
0xeb: {  	v2 =	vmul.f32 v2, v4;
	_ =	sdelay $0x1  }
0xec: {  	[tilespmem:s10+$0x0] =	vst v2;
	v2 =	vld [tilespmem:s10+$0x10]  }
0xed: {  	v3 =	vld [tilespmem:s21+$0x10];
	_ =	sdelay $0x4  }
0xee: {  	v2 =	vadd.f32 v3, v2;
	_ =	sdelay $0x1  }
0xef: {  	v2 =	vmul.f32 v2, v4;
	_ =	sdelay $0x1  }
0xf0: {  	[tilespmem:s10+$0x10] =	vst v2;
	v2 =	vld [tilespmem:s10+$0x20]  }
0xf1: {  	v3 =	vld [tilespmem:s21+$0x20];
	_ =	sdelay $0x4  }
0xf2: {  	v2 =	vadd.f32 v3, v2;
	_ =	sdelay $0x1  }
0xf3: {  	v2 =	vmul.f32 v2, v4;
	_ =	sdelay $0x1  }
0xf4: {  	[tilespmem:s10+$0x20] =	vst v2;
	v2 =	vld [tilespmem:s10+$0x30]  }
0xf5: {  	v3 =	vld [tilespmem:s21+$0x30];
	_ =	sdelay $0x4  }
0xf6: {  	v2 =	vadd.f32 v3, v2;
	_ =	sdelay $0x1  }
0xf7: {  	v2 =	vmul.f32 v2, v4;
	_ =	sdelay $0x1  }
0xf8: {  	[tilespmem:s10+$0x30] =	vst v2;
	v2 =	vld [tilespmem:s10+$0x40]  }
0xf9: {  	v3 =	vld [tilespmem:s21+$0x40];
	_ =	sdelay $0x4  }
0xfa: {  	v2 =	vadd.f32 v3, v2;
	_ =	sdelay $0x1  }
0xfb: {  	v2 =	vmul.f32 v2, v4;
	_ =	sdelay $0x1  }
0xfc: {  	[tilespmem:s10+$0x40] =	vst v2;
	v2 =	vld [tilespmem:s10+$0x50]  }
0xfd: {  	v3 =	vld [tilespmem:s21+$0x50];
	_ =	sdelay $0x4  }
0xfe: {  	v2 =	vadd.f32 v3, v2;
	_ =	sdelay $0x1  }
0xff: {  	v2 =	vmul.f32 v2, v4;
	_ =	sdelay $0x1  }
0x100: {  	[tilespmem:s10+$0x50] =	vst v2;
	v2 =	vld [tilespmem:s10+$0x60]  }
0x101: {  	v3 =	vld [tilespmem:s21+$0x60];
	_ =	sdelay $0x4  }
0x102: {  	v2 =	vadd.f32 v3, v2;
	_ =	sdelay $0x1  }
0x103: {  	v2 =	vmul.f32 v2, v4;
	_ =	sdelay $0x1  }
0x104: {  	[tilespmem:s10+$0x60] =	vst v2;
	v3 =	vld [tilespmem:s10+$0x70]  }
0x105: {  	v5 =	vld [tilespmem:s21+$0x70];
	_ =	sdelay $0x2  }
0x106: {  	v2 =	vmov s16  }
.Ltmp0:
0x107: {  	v2 =	vand.u32 $0xFFFFFFFE, v2;
	(pc) =	sbr.rel @p0 .LBB2_3-.Ltmp0, $3  }
0x108: {  	v2 =	vbroadcast v2, $0x0;
	v3 =	vadd.f32 v5, v3;
	_ =	sdelay $0x1  }
0x109: {  	v3 =	vmul.f32 v3, v4  }
0x10a: {  	s10 =	sadd.s32 $0x100, s10  }
0x10b: {  	_ = 	snop  }
0x10c: {  	v4 =	vld [tilespmem:s10+$0xFFFFFF80];
	[tilespmem:s22+$0x70] =	vst v3;
	s7 =	sadd.s32 $0x100, s21  }
0x10d: {  	v3 =	vld [tilespmem:s7+$0xFFFFFF80];
	_ =	sdelay $0x1  }
0x10e: {  	v2 =	vld.idx.msk [tilespmem:v2+s11+$0x0], $0xffff;
	_ =	sdelay $0x2  }
0x10f: {  	v3 =	vadd.f32 v3, v4;
	_ =	sdelay $0x1  }
0x110: {  	v3 =	vmul.f32 v3, v2;
	_ =	sdelay $0x1  }
0x111: {  	[tilespmem:s10+$0xFFFFFF80] =	vst v3;
	v3 =	vld [tilespmem:s10+$0xFFFFFF90]  }
0x112: {  	v4 =	vld [tilespmem:s7+$0xFFFFFF90];
	_ =	sdelay $0x4  }
0x113: {  	v3 =	vadd.f32 v4, v3;
	_ =	sdelay $0x1  }
0x114: {  	v3 =	vmul.f32 v3, v2;
	_ =	sdelay $0x1  }
0x115: {  	[tilespmem:s10+$0xFFFFFF90] =	vst v3;
	v3 =	vld [tilespmem:s10+$0xFFFFFFA0]  }
0x116: {  	v4 =	vld [tilespmem:s7+$0xFFFFFFA0];
	_ =	sdelay $0x4  }
0x117: {  	v3 =	vadd.f32 v4, v3;
	_ =	sdelay $0x1  }
0x118: {  	v3 =	vmul.f32 v3, v2;
	_ =	sdelay $0x1  }
0x119: {  	[tilespmem:s10+$0xFFFFFFA0] =	vst v3;
	v3 =	vld [tilespmem:s10+$0xFFFFFFB0]  }
0x11a: {  	v4 =	vld [tilespmem:s7+$0xFFFFFFB0];
	_ =	sdelay $0x4  }
0x11b: {  	v3 =	vadd.f32 v4, v3;
	_ =	sdelay $0x1  }
0x11c: {  	v3 =	vmul.f32 v3, v2;
	_ =	sdelay $0x1  }
0x11d: {  	[tilespmem:s10+$0xFFFFFFB0] =	vst v3;
	v3 =	vld [tilespmem:s10+$0xFFFFFFC0]  }
0x11e: {  	v4 =	vld [tilespmem:s7+$0xFFFFFFC0];
	_ =	sdelay $0x4  }
0x11f: {  	v3 =	vadd.f32 v4, v3;
	_ =	sdelay $0x1  }
0x120: {  	v3 =	vmul.f32 v3, v2;
	_ =	sdelay $0x1  }
0x121: {  	[tilespmem:s10+$0xFFFFFFC0] =	vst v3;
	v3 =	vld [tilespmem:s10+$0xFFFFFFD0]  }
0x122: {  	v4 =	vld [tilespmem:s7+$0xFFFFFFD0];
	_ =	sdelay $0x4  }
0x123: {  	v3 =	vadd.f32 v4, v3;
	_ =	sdelay $0x1  }
0x124: {  	v3 =	vmul.f32 v3, v2;
	_ =	sdelay $0x1  }
0x125: {  	[tilespmem:s10+$0xFFFFFFD0] =	vst v3;
	v3 =	vld [tilespmem:s10+$0xFFFFFFE0]  }
0x126: {  	v4 =	vld [tilespmem:s7+$0xFFFFFFE0];
	_ =	sdelay $0x4  }
0x127: {  	v3 =	vadd.f32 v4, v3;
	_ =	sdelay $0x1  }
0x128: {  	v3 =	vmul.f32 v3, v2;
	_ =	sdelay $0x1  }
0x129: {  	[tilespmem:s10+$0xFFFFFFE0] =	vst v3;
	v3 =	vld [tilespmem:s10+$0xFFFFFFF0]  }
0x12a: {  	v4 =	vld [tilespmem:s7+$0xFFFFFFF0];
	_ =	sdelay $0x4  }
0x12b: {  	v3 =	vadd.f32 v4, v3  }
0x12c: {  	s8 =	sadd.s32 $0x1, s16  }
0x12d: {  	v2 =	vmul.f32 v3, v2;
	v3 =	vmov s8;
	_ =	sdelay $0x1  }
0x12e: {  	[tilespmem:s10+$0xFFFFFFF0] =	vst v2;
	v2 =	vld [tilespmem:s10+$0x0]  }
0x12f: {  	v4 =	vld [tilespmem:s7+$0x0];
	_ =	sdelay $0x1  }
0x130: {  	v3 =	vld.idx.msk [tilespmem:v3+s11+$0x0], $0xffff;
	_ =	sdelay $0x2  }
0x131: {  	v2 =	vadd.f32 v4, v2;
	_ =	sdelay $0x1  }
0x132: {  	v2 =	vmul.f32 v2, v3;
	_ =	sdelay $0x1  }
0x133: {  	[tilespmem:s10+$0x0] =	vst v2;
	v2 =	vld [tilespmem:s10+$0x10]  }
0x134: {  	v4 =	vld [tilespmem:s7+$0x10];
	_ =	sdelay $0x4  }
0x135: {  	v2 =	vadd.f32 v4, v2;
	_ =	sdelay $0x1  }
0x136: {  	v2 =	vmul.f32 v2, v3;
	_ =	sdelay $0x1  }
0x137: {  	[tilespmem:s10+$0x10] =	vst v2;
	v2 =	vld [tilespmem:s10+$0x20]  }
0x138: {  	v4 =	vld [tilespmem:s7+$0x20];
	_ =	sdelay $0x4  }
0x139: {  	v2 =	vadd.f32 v4, v2;
	_ =	sdelay $0x1  }
0x13a: {  	v2 =	vmul.f32 v2, v3;
	_ =	sdelay $0x1  }
0x13b: {  	[tilespmem:s10+$0x20] =	vst v2;
	v2 =	vld [tilespmem:s10+$0x30]  }
0x13c: {  	v4 =	vld [tilespmem:s7+$0x30];
	_ =	sdelay $0x4  }
0x13d: {  	v2 =	vadd.f32 v4, v2;
	_ =	sdelay $0x1  }
0x13e: {  	v2 =	vmul.f32 v2, v3;
	_ =	sdelay $0x1  }
0x13f: {  	[tilespmem:s10+$0x30] =	vst v2;
	v2 =	vld [tilespmem:s10+$0x40]  }
0x140: {  	v4 =	vld [tilespmem:s7+$0x40];
	_ =	sdelay $0x4  }
0x141: {  	v2 =	vadd.f32 v4, v2;
	_ =	sdelay $0x1  }
0x142: {  	v2 =	vmul.f32 v2, v3;
	_ =	sdelay $0x1  }
0x143: {  	[tilespmem:s10+$0x40] =	vst v2;
	v2 =	vld [tilespmem:s10+$0x50]  }
0x144: {  	v4 =	vld [tilespmem:s7+$0x50];
	_ =	sdelay $0x4  }
0x145: {  	v2 =	vadd.f32 v4, v2;
	_ =	sdelay $0x1  }
0x146: {  	v2 =	vmul.f32 v2, v3;
	_ =	sdelay $0x1  }
0x147: {  	[tilespmem:s10+$0x50] =	vst v2;
	v2 =	vld [tilespmem:s10+$0x60]  }
0x148: {  	v4 =	vld [tilespmem:s7+$0x60];
	_ =	sdelay $0x4  }
0x149: {  	v2 =	vadd.f32 v4, v2;
	_ =	sdelay $0x1  }
0x14a: {  	v2 =	vmul.f32 v2, v3;
	_ =	sdelay $0x1  }
0x14b: {  	[tilespmem:s10+$0x60] =	vst v2;
	v2 =	vld [tilespmem:s10+$0x70]  }
0x14c: {  	v4 =	vld [tilespmem:s7+$0x70];
	_ =	sdelay $0x4  }
0x14d: {  	v2 =	vadd.f32 v4, v2;
	_ =	sdelay $0x1  }
0x14e: {  	v2 =	vmul.f32 v2, v3;
	_ =	sdelay $0x1  }
0x14f: {  	[tilespmem:s10+$0x70] =	vst v2  }
0x150: {  	[spmem:s9] =	stream.indirect.scatter.add.f32 [tilespmem:s29], [sflag:$0x7], $0x80, s23, s28, $0xb8;
	[tilespmem:$0x1C080] =	vst v63  }
0x151: {  	s22 =	sshll.u32 s17, $0x1;
	_ =	swait.ge [sflag:s19], $0x2000  }
0x152: {  	s7 =	smin.u32 s22, $0x9B;
	[sflag:s19] =	ssyncset.done $0x0  }
0x153: {  	s7 =	sshll.u32 s7, $0x6;
	[sflag:s19] =	ssyncadd.s32 $0xFFFFE000  }
0x154: {  	[spmem:s9] =	stream.indirect.scatter.add.f32 [tilespmem:s29], [sflag:$0x7], $0x80, s24, s28, $0xb8;
	[tilespmem:$0x1C080] =	vst v63  }
0x155: {  	s7 =	sadd.s32 s7, s15;
	_ =	swait.ge [sflag:s19], $0x2000  }
0x156: {  	s25 =	sshrl.u32 s7, $0x3;
	[sflag:s19] =	ssyncset.done $0x0  }
0x157: {  	s16 =	simm.s32 $0x0;
	s7 =	sadd.s32 s1, s25;
	[sflag:s19] =	ssyncadd.s32 $0xFFFFE000  }
0x158: {  	[tilespmem:s23], [sflag:$0x5] =	stream.linear.gather [hbm4b:s7+s16], $0x40, $0x38;
	[tilespmem:$0x1C080] =	vst v63  }
0x159: {  	s21 =	sadd.s32 s2, s25  }
0x15a: {  	[tilespmem:s24], [sflag:$0x5] =	stream.linear.gather [hbm4b:s21+s16], $0x40, $0x38;
	[tilespmem:$0x1C080] =	vst v63  }
0x15b: {  	s22 =	simm.s32 $0x13D00;
	s8 =	sadd.s32 s3, s25  }
0x15c: {  	[tilespmem:s22], [sflag:$0x5] =	stream.linear.gather [hbm4b:s8+s16], $0x40, $0x38;
	[tilespmem:$0x1C080] =	vst v63  }
0x15d: {  	_ =	swait.ge [sflag:s26], $0x40  }
0x15e: {  	[sflag:s26] =	ssyncset.done $0x0  }
0x15f: {  	[sflag:s26] =	ssyncadd.s32 $0xFFFFFFC0  }
0x160: {  	_ =	swait.ge [sflag:s26], $0x40  }
0x161: {  	[sflag:s26] =	ssyncset.done $0x0  }
0x162: {  	[sflag:s26] =	ssyncadd.s32 $0xFFFFFFC0  }
0x163: {  	_ =	swait.ge [sflag:s26], $0x40  }
0x164: {  	[sflag:s26] =	ssyncset.done $0x0  }
0x165: {  	[sflag:s26] =	ssyncadd.s32 $0xFFFFFFC0  }
0x166: {  	[tilespmem:s29], [sflag:$0x1] =	stream.indirect.gather [hbm4b:s0+s28], $0x80, s23, s28, $0xb8;
	[tilespmem:$0x1C080] =	vst v63  }
0x167: {  	_ = 	snop  }
0x168: {  	[tilespmem:s30], [sflag:$0x2] =	stream.indirect.gather [hbm4b:s0+s28], $0x80, s24, s28, $0xb8;
	[tilespmem:$0x1C080] =	vst v63  }
0x169: {  	_ =	swait.ge [sflag:s12], $0x2000  }
0x16a: {  	[sflag:s12] =	ssyncset.done $0x0  }
0x16b: {  	[sflag:s12] =	ssyncadd.s32 $0xFFFFE000  }
0x16c: {  	_ =	swait.ge [sflag:s13], $0x2000  }
0x16d: {  	[sflag:s13] =	ssyncset.done $0x0  }
0x16e: {  	[sflag:s13] =	ssyncadd.s32 $0xFFFFE000  }
0x16f: {  	v2 =	vld [tilespmem:$0x17E80];
	_ =	sdelay $0x4  }
0x170: {  	v2 =	vsub.f32 v2, v0;
	_ =	sdelay $0x1  }
0x171: {  	v3 =	vmul.f32 v2, v1  }
0x172: {  	vm0 =	vlt.f32 v2, $0.0e+00  }
0x173: {  	v2 =	vnsel vm0, $0x3F800000, v3  }
0x174: {  	(erf) = vrcp.f32 v2;
	_ =	sdelay $0x2  }
0x175: {  	v2 =	vld [tilespmem:$0x17E90];
	_ =	sdelay $0x4  }
0x176: {  	v2 =	vsub.f32 v2, v0  }
0x177: {  	v3 =	vpop (erf)  }
0x178: {  	v4 =	vmul.f32 v2, v1;
	v3 =	vmul.f32 $-1.442695020e+00, v3  }
0x179: {  	vm1 =	vlt.f32 v2, $0.0e+00  }
0x17a: {  	v2 =	vnsel vm1, $0x3F800000, v4;
	(erf) = vpow2.f32 v3  }
0x17b: {  	(erf) = vrcp.f32 v2;
	_ =	sdelay $0x2  }
0x17c: {  	v2 =	vld [tilespmem:$0x17EA0];
	_ =	sdelay $0x4  }
0x17d: {  	v2 =	vsub.f32 v2, v0;
	v3 =	vpop (erf)  }
0x17e: {  	v4 =	vpop (erf)  }
0x17f: {  	v5 =	vmul.f32 v2, v1;
	v4 =	vmul.f32 $-1.442695020e+00, v4  }
0x180: {  	vm2 =	vlt.f32 v2, $0.0e+00  }
0x181: {  	v2 =	vnsel vm2, $0x3F800000, v5;
	(erf) = vpow2.f32 v4  }
0x182: {  	(erf) = vrcp.f32 v2;
	_ =	sdelay $0x2  }
0x183: {  	v2 =	vld [tilespmem:$0x17EB0];
	_ =	sdelay $0x4  }
0x184: {  	v2 =	vsub.f32 v2, v0;
	v4 =	vpop (erf)  }
0x185: {  	v5 =	vpop (erf)  }
0x186: {  	v6 =	vmul.f32 v2, v1;
	v5 =	vmul.f32 $-1.442695020e+00, v5  }
0x187: {  	vm3 =	vlt.f32 v2, $0.0e+00  }
0x188: {  	v2 =	vnsel vm3, $0x3F800000, v6;
	(erf) = vpow2.f32 v5  }
0x189: {  	(erf) = vrcp.f32 v2;
	_ =	sdelay $0x7  }
0x18a: {  	v2 =	vpop (erf)  }
0x18b: {  	v5 =	vpop (erf)  }
0x18c: {  	v5 =	vmul.f32 $-1.442695020e+00, v5;
	_ =	sdelay $0x1  }
0x18d: {  	(erf) = vpow2.f32 v5;
	_ =	sdelay $0x5  }
0x18e: {  	v4 =	vnsel vm1, $0x0, v4  }
0x18f: {  	v3 =	vnsel vm0, $0x0, v3;
	v5 =	vmov s16  }
0x190: {  	[tilespmem:$0x1BF00] =	vst v3;
	v3 =	vand.u32 $0xFFFFFFFE, v5  }
0x191: {  	[tilespmem:$0x1BF10] =	vst v4;
	v2 =	vnsel vm2, $0x0, v2;
	v3 =	vbroadcast v3, $0x0;
	v4 =	vpop (erf)  }
0x192: {  	[tilespmem:$0x1BF20] =	vst v2;
	v2 =	vnsel vm3, $0x0, v4  }
0x193: {  	s22 =	simm.s32 $0x17F80;
	[tilespmem:$0x1BF30] =	vst v2  }
0x194: {  	s21 =	simm.s32 $0x19F80;
	v2 =	vld [tilespmem:s22+$0xFFFFFF80]  }
0x195: {  	v4 =	vld [tilespmem:s21+$0xFFFFFF80];
	_ =	sdelay $0x1  }
0x196: {  	v3 =	vld.idx.msk [tilespmem:v3+s11+$0x0], $0xffff;
	_ =	sdelay $0x2  }
0x197: {  	v2 =	vadd.f32 v4, v2;
	_ =	sdelay $0x1  }
0x198: {  	v2 =	vmul.f32 v2, v3;
	_ =	sdelay $0x1  }
0x199: {  	[tilespmem:s22+$0xFFFFFF80] =	vst v2;
	v2 =	vld [tilespmem:s22+$0xFFFFFF90]  }
0x19a: {  	v4 =	vld [tilespmem:s21+$0xFFFFFF90];
	_ =	sdelay $0x4  }
0x19b: {  	v2 =	vadd.f32 v4, v2;
	_ =	sdelay $0x1  }
0x19c: {  	v2 =	vmul.f32 v2, v3;
	_ =	sdelay $0x1  }
0x19d: {  	[tilespmem:s22+$0xFFFFFF90] =	vst v2;
	v2 =	vld [tilespmem:s22+$0xFFFFFFA0]  }
0x19e: {  	v4 =	vld [tilespmem:s21+$0xFFFFFFA0];
	_ =	sdelay $0x4  }
0x19f: {  	v2 =	vadd.f32 v4, v2;
	_ =	sdelay $0x1  }
0x1a0: {  	v2 =	vmul.f32 v2, v3;
	_ =	sdelay $0x1  }
0x1a1: {  	[tilespmem:s22+$0xFFFFFFA0] =	vst v2;
	v2 =	vld [tilespmem:s22+$0xFFFFFFB0]  }
0x1a2: {  	v4 =	vld [tilespmem:s21+$0xFFFFFFB0];
	_ =	sdelay $0x4  }
0x1a3: {  	v2 =	vadd.f32 v4, v2;
	_ =	sdelay $0x1  }
0x1a4: {  	v2 =	vmul.f32 v2, v3;
	_ =	sdelay $0x1  }
0x1a5: {  	[tilespmem:s22+$0xFFFFFFB0] =	vst v2;
	v2 =	vld [tilespmem:s22+$0xFFFFFFC0]  }
0x1a6: {  	v4 =	vld [tilespmem:s21+$0xFFFFFFC0];
	_ =	sdelay $0x4  }
0x1a7: {  	v2 =	vadd.f32 v4, v2;
	_ =	sdelay $0x1  }
0x1a8: {  	v2 =	vmul.f32 v2, v3;
	_ =	sdelay $0x1  }
0x1a9: {  	[tilespmem:s22+$0xFFFFFFC0] =	vst v2;
	v2 =	vld [tilespmem:s22+$0xFFFFFFD0]  }
0x1aa: {  	v4 =	vld [tilespmem:s21+$0xFFFFFFD0];
	_ =	sdelay $0x4  }
0x1ab: {  	v2 =	vadd.f32 v4, v2;
	_ =	sdelay $0x1  }
0x1ac: {  	v2 =	vmul.f32 v2, v3;
	_ =	sdelay $0x1  }
0x1ad: {  	[tilespmem:s22+$0xFFFFFFD0] =	vst v2;
	v2 =	vld [tilespmem:s22+$0xFFFFFFE0]  }
0x1ae: {  	v4 =	vld [tilespmem:s21+$0xFFFFFFE0];
	_ =	sdelay $0x4  }
0x1af: {  	v2 =	vadd.f32 v4, v2;
	_ =	sdelay $0x1  }
0x1b0: {  	v2 =	vmul.f32 v2, v3;
	_ =	sdelay $0x1  }
0x1b1: {  	[tilespmem:s22+$0xFFFFFFE0] =	vst v2;
	v2 =	vld [tilespmem:s22+$0xFFFFFFF0]  }
0x1b2: {  	v4 =	vld [tilespmem:s21+$0xFFFFFFF0];
	_ =	sdelay $0x4  }
0x1b3: {  	v2 =	vadd.f32 v4, v2  }
0x1b4: {  	s25 =	simm.s32 $0x1  }
0x1b5: {  	v2 =	vmul.f32 v2, v3;
	v3 =	vmov s25;
	_ =	sdelay $0x1  }
0x1b6: {  	[tilespmem:s22+$0xFFFFFFF0] =	vst v2;
	v2 =	vld [tilespmem:s22+$0x0]  }
0x1b7: {  	v4 =	vld [tilespmem:s21+$0x0];
	_ =	sdelay $0x1  }
0x1b8: {  	v3 =	vld.idx.msk [tilespmem:v3+s11+$0x0], $0xffff;
	_ =	sdelay $0x2  }
0x1b9: {  	v2 =	vadd.f32 v4, v2;
	_ =	sdelay $0x1  }
0x1ba: {  	v2 =	vmul.f32 v2, v3;
	_ =	sdelay $0x1  }
0x1bb: {  	[tilespmem:s22+$0x0] =	vst v2;
	v2 =	vld [tilespmem:s22+$0x10]  }
0x1bc: {  	v4 =	vld [tilespmem:s21+$0x10];
	_ =	sdelay $0x4  }
0x1bd: {  	v2 =	vadd.f32 v4, v2;
	_ =	sdelay $0x1  }
0x1be: {  	v2 =	vmul.f32 v2, v3;
	_ =	sdelay $0x1  }
0x1bf: {  	[tilespmem:s22+$0x10] =	vst v2;
	v2 =	vld [tilespmem:s22+$0x20]  }
0x1c0: {  	v4 =	vld [tilespmem:s21+$0x20];
	_ =	sdelay $0x4  }
0x1c1: {  	v2 =	vadd.f32 v4, v2;
	_ =	sdelay $0x1  }
0x1c2: {  	v2 =	vmul.f32 v2, v3;
	_ =	sdelay $0x1  }
0x1c3: {  	[tilespmem:s22+$0x20] =	vst v2;
	v2 =	vld [tilespmem:s22+$0x30]  }
0x1c4: {  	v4 =	vld [tilespmem:s21+$0x30];
	_ =	sdelay $0x4  }
0x1c5: {  	v2 =	vadd.f32 v4, v2;
	_ =	sdelay $0x1  }
0x1c6: {  	v2 =	vmul.f32 v2, v3;
	_ =	sdelay $0x1  }
0x1c7: {  	[tilespmem:s22+$0x30] =	vst v2;
	v2 =	vld [tilespmem:s22+$0x40]  }
0x1c8: {  	v4 =	vld [tilespmem:s21+$0x40];
	_ =	sdelay $0x4  }
0x1c9: {  	v2 =	vadd.f32 v4, v2;
	_ =	sdelay $0x1  }
0x1ca: {  	v2 =	vmul.f32 v2, v3;
	_ =	sdelay $0x1  }
0x1cb: {  	[tilespmem:s22+$0x40] =	vst v2;
	v2 =	vld [tilespmem:s22+$0x50]  }
0x1cc: {  	v4 =	vld [tilespmem:s21+$0x50];
	_ =	sdelay $0x4  }
0x1cd: {  	v2 =	vadd.f32 v4, v2;
	_ =	sdelay $0x1  }
0x1ce: {  	v2 =	vmul.f32 v2, v3;
	_ =	sdelay $0x1  }
0x1cf: {  	[tilespmem:s22+$0x50] =	vst v2;
	v2 =	vld [tilespmem:s22+$0x60]  }
0x1d0: {  	v4 =	vld [tilespmem:s21+$0x60];
	_ =	sdelay $0x4  }
0x1d1: {  	v2 =	vadd.f32 v4, v2;
	_ =	sdelay $0x1  }
0x1d2: {  	v2 =	vmul.f32 v2, v3;
	_ =	sdelay $0x1  }
0x1d3: {  	[tilespmem:s22+$0x60] =	vst v2;
	v2 =	vld [tilespmem:s22+$0x70]  }
0x1d4: {  	v4 =	vld [tilespmem:s21+$0x70];
	_ =	sdelay $0x2  }
0x1d5: {  	s16 =	simm.s32 $0x2  }
0x1d6: {  	v5 =	vmov s16  }
0x1d7: {  	v4 =	vadd.f32 v4, v2;
	v2 =	vand.u32 $0xFFFFFFFE, v5  }
0x1d8: {  	v2 =	vbroadcast v2, $0x0;
	_ =	sdelay $0x1  }
0x1d9: {  	s10 =	simm.s32 $0x18080;
	s7 =	simm.s32 $0x4;
	v3 =	vmul.f32 v4, v3  }
.LBB2_5:
0x1da: {  	p0 =	sne.s32 s7, $0x3E;
	s21 =	sadd.s32 $0x100, s21  }
0x1db: {  	v4 =	vld [tilespmem:s10+$0xFFFFFF80];
	[tilespmem:s22+$0x70] =	vst v3;
	s8 =	smov.u32 s7;
	s7 =	sadd.s32 $0x2, s7;
	s22 =	smov.u32 s10  }
0x1dc: {  	v3 =	vld [tilespmem:s21+$0xFFFFFF80]  }
0x1dd: {  	v2 =	vld.idx.msk [tilespmem:v2+s11+$0x0], $0xffff;
	_ =	sdelay $0x3  }
0x1de: {  	v3 =	vadd.f32 v3, v4;
	_ =	sdelay $0x1  }
0x1df: {  	v3 =	vmul.f32 v3, v2;
	_ =	sdelay $0x1  }
0x1e0: {  	[tilespmem:s10+$0xFFFFFF80] =	vst v3;
	v3 =	vld [tilespmem:s10+$0xFFFFFF90]  }
0x1e1: {  	v4 =	vld [tilespmem:s21+$0xFFFFFF90];
	_ =	sdelay $0x4  }
0x1e2: {  	v3 =	vadd.f32 v4, v3;
	_ =	sdelay $0x1  }
0x1e3: {  	v3 =	vmul.f32 v3, v2;
	_ =	sdelay $0x1  }
0x1e4: {  	[tilespmem:s10+$0xFFFFFF90] =	vst v3;
	v3 =	vld [tilespmem:s10+$0xFFFFFFA0]  }
0x1e5: {  	v4 =	vld [tilespmem:s21+$0xFFFFFFA0];
	_ =	sdelay $0x4  }
0x1e6: {  	v3 =	vadd.f32 v4, v3;
	_ =	sdelay $0x1  }
0x1e7: {  	v3 =	vmul.f32 v3, v2;
	_ =	sdelay $0x1  }
0x1e8: {  	[tilespmem:s10+$0xFFFFFFA0] =	vst v3;
	v3 =	vld [tilespmem:s10+$0xFFFFFFB0]  }
0x1e9: {  	v4 =	vld [tilespmem:s21+$0xFFFFFFB0];
	_ =	sdelay $0x4  }
0x1ea: {  	v3 =	vadd.f32 v4, v3;
	_ =	sdelay $0x1  }
0x1eb: {  	v3 =	vmul.f32 v3, v2;
	_ =	sdelay $0x1  }
0x1ec: {  	[tilespmem:s10+$0xFFFFFFB0] =	vst v3;
	v3 =	vld [tilespmem:s10+$0xFFFFFFC0]  }
0x1ed: {  	v4 =	vld [tilespmem:s21+$0xFFFFFFC0];
	_ =	sdelay $0x4  }
0x1ee: {  	v3 =	vadd.f32 v4, v3;
	_ =	sdelay $0x1  }
0x1ef: {  	v3 =	vmul.f32 v3, v2;
	_ =	sdelay $0x1  }
0x1f0: {  	[tilespmem:s10+$0xFFFFFFC0] =	vst v3;
	v3 =	vld [tilespmem:s10+$0xFFFFFFD0]  }
0x1f1: {  	v4 =	vld [tilespmem:s21+$0xFFFFFFD0];
	_ =	sdelay $0x4  }
0x1f2: {  	v3 =	vadd.f32 v4, v3;
	_ =	sdelay $0x1  }
0x1f3: {  	v3 =	vmul.f32 v3, v2;
	_ =	sdelay $0x1  }
0x1f4: {  	[tilespmem:s10+$0xFFFFFFD0] =	vst v3;
	v3 =	vld [tilespmem:s10+$0xFFFFFFE0]  }
0x1f5: {  	v4 =	vld [tilespmem:s21+$0xFFFFFFE0];
	_ =	sdelay $0x4  }
0x1f6: {  	v3 =	vadd.f32 v4, v3;
	_ =	sdelay $0x1  }
0x1f7: {  	v3 =	vmul.f32 v3, v2;
	_ =	sdelay $0x1  }
0x1f8: {  	[tilespmem:s10+$0xFFFFFFE0] =	vst v3;
	v3 =	vld [tilespmem:s10+$0xFFFFFFF0]  }
0x1f9: {  	v4 =	vld [tilespmem:s21+$0xFFFFFFF0];
	_ =	sdelay $0x4  }
0x1fa: {  	s25 =	sadd.s32 $0x1, s16;
	s16 =	smov.u32 s8;
	v3 =	vadd.f32 v4, v3  }
0x1fb: {  	v4 =	vmov s25  }
0x1fc: {  	v2 =	vmul.f32 v3, v2;
	_ =	sdelay $0x1  }
0x1fd: {  	[tilespmem:s10+$0xFFFFFFF0] =	vst v2;
	v2 =	vld [tilespmem:s10+$0x0]  }
0x1fe: {  	v3 =	vld [tilespmem:s21+$0x0]  }
0x1ff: {  	v4 =	vld.idx.msk [tilespmem:v4+s11+$0x0], $0xffff;
	_ =	sdelay $0x3  }
0x200: {  	v2 =	vadd.f32 v3, v2;
	_ =	sdelay $0x1  }
0x201: {  	v2 =	vmul.f32 v2, v4;
	_ =	sdelay $0x1  }
0x202: {  	[tilespmem:s10+$0x0] =	vst v2;
	v2 =	vld [tilespmem:s10+$0x10]  }
0x203: {  	v3 =	vld [tilespmem:s21+$0x10];
	_ =	sdelay $0x4  }
0x204: {  	v2 =	vadd.f32 v3, v2;
	_ =	sdelay $0x1  }
0x205: {  	v2 =	vmul.f32 v2, v4;
	_ =	sdelay $0x1  }
0x206: {  	[tilespmem:s10+$0x10] =	vst v2;
	v2 =	vld [tilespmem:s10+$0x20]  }
0x207: {  	v3 =	vld [tilespmem:s21+$0x20];
	_ =	sdelay $0x4  }
0x208: {  	v2 =	vadd.f32 v3, v2;
	_ =	sdelay $0x1  }
0x209: {  	v2 =	vmul.f32 v2, v4;
	_ =	sdelay $0x1  }
0x20a: {  	[tilespmem:s10+$0x20] =	vst v2;
	v2 =	vld [tilespmem:s10+$0x30]  }
0x20b: {  	v3 =	vld [tilespmem:s21+$0x30];
	_ =	sdelay $0x4  }
0x20c: {  	v2 =	vadd.f32 v3, v2;
	_ =	sdelay $0x1  }
0x20d: {  	v2 =	vmul.f32 v2, v4;
	_ =	sdelay $0x1  }
0x20e: {  	[tilespmem:s10+$0x30] =	vst v2;
	v2 =	vld [tilespmem:s10+$0x40]  }
0x20f: {  	v3 =	vld [tilespmem:s21+$0x40];
	_ =	sdelay $0x4  }
0x210: {  	v2 =	vadd.f32 v3, v2;
	_ =	sdelay $0x1  }
0x211: {  	v2 =	vmul.f32 v2, v4;
	_ =	sdelay $0x1  }
0x212: {  	[tilespmem:s10+$0x40] =	vst v2;
	v2 =	vld [tilespmem:s10+$0x50]  }
0x213: {  	v3 =	vld [tilespmem:s21+$0x50];
	_ =	sdelay $0x4  }
0x214: {  	v2 =	vadd.f32 v3, v2;
	_ =	sdelay $0x1  }
0x215: {  	v2 =	vmul.f32 v2, v4;
	_ =	sdelay $0x1  }
0x216: {  	[tilespmem:s10+$0x50] =	vst v2;
	v2 =	vld [tilespmem:s10+$0x60]  }
0x217: {  	v3 =	vld [tilespmem:s21+$0x60];
	_ =	sdelay $0x4  }
0x218: {  	v2 =	vadd.f32 v3, v2;
	_ =	sdelay $0x1  }
0x219: {  	v2 =	vmul.f32 v2, v4;
	_ =	sdelay $0x1  }
0x21a: {  	[tilespmem:s10+$0x60] =	vst v2;
	v3 =	vld [tilespmem:s10+$0x70]  }
0x21b: {  	v5 =	vld [tilespmem:s21+$0x70];
	_ =	sdelay $0x2  }
0x21c: {  	v2 =	vmov s16  }
.Ltmp1:
0x21d: {  	v2 =	vand.u32 $0xFFFFFFFE, v2;
	(pc) =	sbr.rel @p0 .LBB2_5-.Ltmp1, $3  }
0x21e: {  	v2 =	vbroadcast v2, $0x0;
	v3 =	vadd.f32 v5, v3;
	_ =	sdelay $0x1  }
0x21f: {  	v3 =	vmul.f32 v3, v4  }
0x220: {  	s10 =	sadd.s32 $0x100, s10  }
0x221: {  	_ = 	snop  }
0x222: {  	v4 =	vld [tilespmem:s10+$0xFFFFFF80];
	[tilespmem:s22+$0x70] =	vst v3;
	s7 =	sadd.s32 $0x100, s21  }
0x223: {  	v3 =	vld [tilespmem:s7+$0xFFFFFF80];
	_ =	sdelay $0x1  }
0x224: {  	v2 =	vld.idx.msk [tilespmem:v2+s11+$0x0], $0xffff;
	_ =	sdelay $0x2  }
0x225: {  	v3 =	vadd.f32 v3, v4;
	_ =	sdelay $0x1  }
0x226: {  	v3 =	vmul.f32 v3, v2;
	_ =	sdelay $0x1  }
0x227: {  	[tilespmem:s10+$0xFFFFFF80] =	vst v3;
	v3 =	vld [tilespmem:s10+$0xFFFFFF90]  }
0x228: {  	v49 =	vld [tilespmem:s7+$0xFFFFFF90];
	_ =	sdelay $0x4  }
0x229: {  	v3 =	vadd.f32 v49, v3;
	_ =	sdelay $0x1  }
0x22a: {  	v3 =	vmul.f32 v3, v2;
	_ =	sdelay $0x1  }
0x22b: {  	[tilespmem:s10+$0xFFFFFF90] =	vst v3;
	v3 =	vld [tilespmem:s10+$0xFFFFFFA0]  }
0x22c: {  	v50 =	vld [tilespmem:s7+$0xFFFFFFA0];
	_ =	sdelay $0x4  }
0x22d: {  	v3 =	vadd.f32 v50, v3;
	_ =	sdelay $0x1  }
0x22e: {  	v3 =	vmul.f32 v3, v2;
	_ =	sdelay $0x1  }
0x22f: {  	[tilespmem:s10+$0xFFFFFFA0] =	vst v3;
	v3 =	vld [tilespmem:s10+$0xFFFFFFB0]  }
0x230: {  	v51 =	vld [tilespmem:s7+$0xFFFFFFB0];
	_ =	sdelay $0x4  }
0x231: {  	v3 =	vadd.f32 v51, v3;
	_ =	sdelay $0x1  }
0x232: {  	v3 =	vmul.f32 v3, v2;
	_ =	sdelay $0x1  }
0x233: {  	[tilespmem:s10+$0xFFFFFFB0] =	vst v3;
	v3 =	vld [tilespmem:s10+$0xFFFFFFC0]  }
0x234: {  	v52 =	vld [tilespmem:s7+$0xFFFFFFC0];
	_ =	sdelay $0x4  }
0x235: {  	v3 =	vadd.f32 v52, v3;
	_ =	sdelay $0x1  }
0x236: {  	v3 =	vmul.f32 v3, v2;
	_ =	sdelay $0x1  }
0x237: {  	[tilespmem:s10+$0xFFFFFFC0] =	vst v3;
	v3 =	vld [tilespmem:s10+$0xFFFFFFD0]  }
0x238: {  	v53 =	vld [tilespmem:s7+$0xFFFFFFD0];
	_ =	sdelay $0x4  }
0x239: {  	v3 =	vadd.f32 v53, v3;
	_ =	sdelay $0x1  }
0x23a: {  	v3 =	vmul.f32 v3, v2;
	_ =	sdelay $0x1  }
0x23b: {  	[tilespmem:s10+$0xFFFFFFD0] =	vst v3;
	v3 =	vld [tilespmem:s10+$0xFFFFFFE0]  }
0x23c: {  	v54 =	vld [tilespmem:s7+$0xFFFFFFE0];
	_ =	sdelay $0x4  }
0x23d: {  	v3 =	vadd.f32 v54, v3;
	_ =	sdelay $0x1  }
0x23e: {  	v3 =	vmul.f32 v3, v2;
	_ =	sdelay $0x1  }
0x23f: {  	[tilespmem:s10+$0xFFFFFFE0] =	vst v3;
	v3 =	vld [tilespmem:s10+$0xFFFFFFF0]  }
0x240: {  	v55 =	vld [tilespmem:s7+$0xFFFFFFF0];
	_ =	sdelay $0x4  }
0x241: {  	v3 =	vadd.f32 v55, v3  }
0x242: {  	s8 =	sadd.s32 $0x1, s16  }
0x243: {  	v2 =	vmul.f32 v3, v2;
	v3 =	vmov s8;
	_ =	sdelay $0x1  }
0x244: {  	[tilespmem:s10+$0xFFFFFFF0] =	vst v2;
	v2 =	vld [tilespmem:s10+$0x0]  }
0x245: {  	v56 =	vld [tilespmem:s7+$0x0];
	_ =	sdelay $0x1  }
0x246: {  	v3 =	vld.idx.msk [tilespmem:v3+s11+$0x0], $0xffff;
	_ =	sdelay $0x2  }
0x247: {  	v2 =	vadd.f32 v56, v2;
	_ =	sdelay $0x1  }
0x248: {  	v2 =	vmul.f32 v2, v3;
	_ =	sdelay $0x1  }
0x249: {  	[tilespmem:s10+$0x0] =	vst v2;
	v2 =	vld [tilespmem:s10+$0x10]  }
0x24a: {  	v57 =	vld [tilespmem:s7+$0x10];
	_ =	sdelay $0x4  }
0x24b: {  	v2 =	vadd.f32 v57, v2;
	_ =	sdelay $0x1  }
0x24c: {  	v2 =	vmul.f32 v2, v3;
	_ =	sdelay $0x1  }
0x24d: {  	[tilespmem:s10+$0x10] =	vst v2;
	v2 =	vld [tilespmem:s10+$0x20]  }
0x24e: {  	v58 =	vld [tilespmem:s7+$0x20];
	_ =	sdelay $0x4  }
0x24f: {  	v2 =	vadd.f32 v58, v2;
	_ =	sdelay $0x1  }
0x250: {  	v2 =	vmul.f32 v2, v3;
	_ =	sdelay $0x1  }
0x251: {  	[tilespmem:s10+$0x20] =	vst v2;
	v2 =	vld [tilespmem:s10+$0x30]  }
0x252: {  	v59 =	vld [tilespmem:s7+$0x30];
	_ =	sdelay $0x4  }
0x253: {  	v2 =	vadd.f32 v59, v2;
	_ =	sdelay $0x1  }
0x254: {  	v2 =	vmul.f32 v2, v3;
	_ =	sdelay $0x1  }
0x255: {  	[tilespmem:s10+$0x30] =	vst v2;
	v2 =	vld [tilespmem:s10+$0x40]  }
0x256: {  	v60 =	vld [tilespmem:s7+$0x40];
	_ =	sdelay $0x4  }
0x257: {  	v2 =	vadd.f32 v60, v2;
	_ =	sdelay $0x1  }
0x258: {  	v2 =	vmul.f32 v2, v3;
	_ =	sdelay $0x1  }
0x259: {  	[tilespmem:s10+$0x40] =	vst v2;
	v2 =	vld [tilespmem:s10+$0x50]  }
0x25a: {  	v61 =	vld [tilespmem:s7+$0x50];
	_ =	sdelay $0x4  }
0x25b: {  	v2 =	vadd.f32 v61, v2;
	_ =	sdelay $0x1  }
0x25c: {  	v2 =	vmul.f32 v2, v3;
	_ =	sdelay $0x1  }
0x25d: {  	[tilespmem:s10+$0x50] =	vst v2;
	v2 =	vld [tilespmem:s10+$0x60]  }
0x25e: {  	v62 =	vld [tilespmem:s7+$0x60];
	_ =	sdelay $0x4  }
0x25f: {  	v2 =	vadd.f32 v62, v2;
	_ =	sdelay $0x1  }
0x260: {  	v2 =	vmul.f32 v2, v3;
	_ =	sdelay $0x1  }
0x261: {  	[tilespmem:s10+$0x60] =	vst v2;
	v2 =	vld [tilespmem:s10+$0x70]  }
0x262: {  	v63 =	vld [tilespmem:s7+$0x70];
	_ =	sdelay $0x4  }
0x263: {  	v2 =	vadd.f32 v63, v2;
	_ =	sdelay $0x1  }
0x264: {  	v2 =	vmul.f32 v2, v3;
	_ =	sdelay $0x1  }
0x265: {  	[tilespmem:s10+$0x70] =	vst v2  }
0x266: {  	[spmem:s9] =	stream.indirect.scatter.add.f32 [tilespmem:s6], [sflag:$0x7], $0x80, s31, s28, $0xb8;
	[tilespmem:$0x1C080] =	vst v63  }
0x267: {  	s17 =	sadd.s32 $0x1, s17;
	_ =	swait.ge [sflag:s19], $0x2000  }
0x268: {  	p0 =	sne.s32 s17, $0x4F;
	[sflag:s19] =	ssyncset.done $0x0  }
.Ltmp2:
0x269: {  	[sflag:s19] =	ssyncadd.s32 $0xFFFFE000;
	(pc) =	sbr.rel @p0 .LBB2_2-.Ltmp2, $4  }
0x26a: {  	[spmem:s9] =	stream.indirect.scatter.add.f32 [tilespmem:s6], [sflag:$0x7], $0x80, s5, s28, $0xb8;
	[tilespmem:$0x1C080] =	vst v63  }
0x26b: {  	_ =	swait.ge [sflag:s19], $0x2000  }
0x26c: {  	[sflag:s19] =	ssyncset.done $0x0  }
0x26d: {  	[sflag:s19] =	ssyncadd.s32 $0xFFFFE000  }
0x26e: {  	_ =	swait.ge [sflag:s18], $0x2000  }
0x26f: {  	[sflag:s18] =	ssyncset.done $0x0  }
0x270: {  	[sflag:s18] =	ssyncadd.s32 $0xFFFFE000  }
0x271: {  	_ =	swait.ge [sflag:s20], $0x2000  }
0x272: {  	[sflag:s20] =	ssyncset.done $0x0  }
0x273: {  	[sflag:s20] =	ssyncadd.s32 $0xFFFFE000  }
0x274: {  	[bflag:$0x0] =	sbarrier.arrive $0xFFFF  }
0x275: {  	s7 =	rddreg [dreg:$0xd]  }
0x276: {  	s16 =	rddreg [dreg:$0xf]  }
0x277: {  	s17 =	rddreg [dreg:$0x10]  }
0x278: {  	[hbm:s7], [sflag:s16] =	dma.local [spmem:s17], $0x2780  }
0x279: {  	_ =	swait.ge [sflag:s19], $0x2780  }
0x27a: {  	s8 =	rddreg [dreg:$0x11]  }
0x27b: {  	s25 =	rddreg [dreg:$0xe];
	s8 =	sadd.s32 $0x1, s8  }
0x27c: {  	p0 =	sne.s32 s8, s25  }
.Ltmp3:
0x27d: {  	_ = 	snop;
	(pc) =	sbr.rel @p0 .LBB2_1-.Ltmp3, $3  }
0x27e: {  	_ =	sdelay $0x1  }
0x27f: {  	[sflag:s19] =	ssyncset.done $0x0  }
0x280: {  	[sflag:s19] =	ssyncadd.s32 $0xFFFFD880  }
0x281: {  	_ =	sfence.sel $0x180000  }
0x282: {  	[bflag:$0x0] =	sbarrier.arrive $0xFFFF  }
0x283: {  	_ =	strace $0x90000047  }
0x284: {  	s0 =	stileid.u32;
	[bflag:$0x2] =	sbarrier.arrive $0xFFFF  }
0x285: {  	p0 =	sne.s32 s0, $0x0;
	s0 =	rddreg [dreg:$0x9]  }
0x286: {  	s0 =	sadd.s32 @!p0 $0x100000, s0  }
0x287: {  	[sflag:s0] =	ssyncadd.tile.s32 @!p0 $0x1;
	_ =	shalt  }
.Lfunc_end2:
_tile_overlayer_lowered:
.L_overlay_start_2:
0x288: {  	(tag) =	ssettag $0x2  }
0x289: {  	s0 =	rddreg [dreg:$0x0];
	s2 =	stileid.u32  }
0x28a: {  	s1 =	rddreg [dreg:$0x1];
	p0 =	sne.s32 s2, $0x0  }
0x28b: {  	s3 =	rddreg [dreg:$0x2];
	[bflag:$0x3] =	sbarrier.arrive $0xFFFF;
	s2 =	simm.s32 @!p0 $0x1C07  }
0x28c: {  	[timem:s3], [sflag:s2] =	dma.local @!p0 [hbm:s0], s1  }
0x28d: {  	s0 =	simm.s32 @!p0 $0x7  }
0x28e: {  	_ =	swait.ge @!p0 [sflag:s0], s1  }
0x28f: {  	s1 =	ssub.s32 @!p0 $0x0, s1;
	[sflag:s0] =	ssyncset.done @!p0 $0x0  }
0x290: {  	[sflag:s0] =	ssyncadd.s32 @!p0 s1  }
0x291: {  	[bflag:$0x3] =	sbarrier.arrive $0xFFFF  }
0x292: {  	_ =	shalt  }

</sc_bundles>
